<compile_context>
chip_gen: v7x
topology: tpu7x:2x2x1
jax: 0.10.2.dev20260603
libtpu: 0.0.44.dev20260713+nightly
codegen_flags: <defaults>
</compile_context>

<pallas_src>
import functools

import jax
import jax.numpy as jnp
from jax import lax
from jax.experimental import pallas as pl
from jax.experimental.pallas import tpu as pltpu
from jax.experimental.pallas import tpu_sc as plsc

_B, _S, _D = 4, 8192, 1024
_NC, _NS = 2, 16
_NW = _NC * _NS
_RPW = _S // _NW
_CH = 32
_NCHUNK = _RPW // _CH


def _make_replicate():
    mesh = plsc.VectorSubcoreMesh(core_axis_name="c", subcore_axis_name="s")

    @functools.partial(
        pl.kernel,
        mesh=mesh,
        out_type=jax.ShapeDtypeStruct((_B, _S, _D), jnp.float32),
        scratch_types=[
            pltpu.VMEM((_CH, _D), jnp.float32),
            pltpu.VMEM((_CH, _D), jnp.float32),
            pltpu.VMEM((_CH, _D), jnp.float32),
            pltpu.SemaphoreType.DMA,
            pltpu.SemaphoreType.DMA,
        ],
    )
    def body(table_hbm, out_hbm, buf0, buf1, buf2, rsem, wsem):
        wid = lax.axis_index("s") * _NC + lax.axis_index("c")
        base = wid * _RPW
        bufs = (buf0, buf1, buf2)
        nbuf = len(bufs)

        def read(g):
            return pltpu.async_copy(
                table_hbm.at[pl.ds(base + g * _CH, _CH)], bufs[g % nbuf],
                rsem)

        def write(g):
            return [
                pltpu.async_copy(
                    bufs[g % nbuf],
                    out_hbm.at[b, pl.ds(base + g * _CH, _CH)], wsem)
                for b in range(_B)
            ]

        pending = {}
        reads = {g: read(g) for g in range(min(nbuf, _NCHUNK))}
        for g in range(_NCHUNK):
            if g >= 1:
                nr = g - 1 + nbuf
                if nr < _NCHUNK:
                    for w in pending.pop(g - 1):
                        w.wait()
                    reads[nr] = read(nr)
            reads.pop(g).wait()
            pending[g] = write(g)
        for g in sorted(pending):
            for w in pending.pop(g):
                w.wait()

    return body


_replicate = _make_replicate()


def kernel(x, position_embeddings):
    del x
    return _replicate(position_embeddings)

# --- scband reference (transcript-rebuilt; emitter-appended) ---
"""Pipeline reference for scband-learnable-positional-encoding-4982162063856 (READ-ONLY COPY).

The authoritative reference and input builder live on the scoring server;
editing this copy changes nothing except your own understanding.
"""

import jax, jax.numpy as jnp
import numpy as np

MAX_SEQ_LENGTH = 8192
EMBEDDING_DIM = 1024


def setup_inputs(seed: int = 0) -> dict:
    key = jax.random.key(seed)
    k1, k2 = jax.random.split(key)
    x = jax.random.randint(k1, (4, 8192), 0, MAX_SEQ_LENGTH, dtype=jnp.int64 if jax.config.jax_enable_x64 else jnp.int32)
    # learned positional embedding table, default nn.Embedding init ~ N(0, 1)
    position_embeddings = jax.random.normal(k2, (MAX_SEQ_LENGTH, EMBEDDING_DIM), dtype=jnp.float32)
    return {"x": x, "position_embeddings": position_embeddings}


def reference(x, position_embeddings):
    batch_size = x.shape[0]
    seq_length = x.shape[1]
    # position = arange(seq_len).unsqueeze(0).repeat(batch, 1)
    position = jnp.broadcast_to(jnp.arange(seq_length)[None, :], (batch_size, seq_length))
    # embedding lookup: gather rows of the table
    pos_embeddings = jnp.take(position_embeddings, position, axis=0)
    return pos_embeddings

if __name__ == "__main__":
    import jax
    _d = setup_inputs()
    print(jax.jit(kernel)(*tuple(_d.values())))

</pallas_src>

<mosaic_0001>
#map = affine_map<(d0, d1) -> (0, 0)>
#map1 = affine_map<(d0, d1) -> (0, 0, 0)>
module attributes {stable_mosaic.version = 14 : i64} {
  func.func @body(%arg0: i32, %arg1: i32, %arg2: memref<8192x1024xf32, #tpu.memory_space<hbm>>, %arg3: memref<4x8192x1024xf32, #tpu.memory_space<hbm>>, %arg4: memref<32x1024xf32, #tpu.memory_space<vmem>>, %arg5: memref<32x1024xf32, #tpu.memory_space<vmem>>, %arg6: memref<32x1024xf32, #tpu.memory_space<vmem>>, %arg7: memref<!tpu.dma_semaphore, #tpu.memory_space<semaphore_mem>>, %arg8: memref<!tpu.dma_semaphore, #tpu.memory_space<semaphore_mem>>) attributes {dimension_semantics = [#tpu.dimension_semantics<core_parallel>, #tpu.dimension_semantics<subcore_parallel>], iteration_bounds = array<i64: 2, 16>, scalar_prefetch = 0 : i64, scratch_operands = 5 : i64, tpu.core_type = #tpu.core_type<sc_vector_subcore>, window_params = [{transform_indices = #map}, {transform_indices = #map1}]} {
    %mul3A = arith.constant 2 : i32
    %mul3A_0 = arith.muli %arg1, %mul3A : i32
    %add3A = arith.addi %mul3A_0, %arg0 : i32
    %mul3A_1 = arith.constant 256 : i32
    %mul3A_2 = arith.muli %add3A, %mul3A_1 : i32
    %add3A_3 = arith.constant 0 : i32
    %add3A_4 = arith.addi %mul3A_2, %add3A_3 : i32
    %dma_start3A = arith.constant 0 : i32
    %dma_start3A_5 = tpu.memref_slice %arg2[%add3A_4, %dma_start3A] : memref<8192x1024xf32, #tpu.memory_space<hbm>> -> memref<32x1024xf32, #tpu.memory_space<hbm>>
    %dma_start3A_6 = arith.constant 0 : i32
    %dma_start3A_7 = tpu.memref_slice %arg2[%add3A_4, %dma_start3A_6] : memref<8192x1024xf32, #tpu.memory_space<hbm>> -> memref<32x1024xf32, #tpu.memory_space<hbm>>
    tpu.enqueue_dma source(%dma_start3A_7 : memref<32x1024xf32, #tpu.memory_space<hbm>>) target(%arg4 : memref<32x1024xf32, #tpu.memory_space<vmem>>) target_semaphore(%arg7 : memref<!tpu.dma_semaphore, #tpu.memory_space<semaphore_mem>>)
    %add3A_8 = arith.constant 32 : i32
    %add3A_9 = arith.addi %mul3A_2, %add3A_8 : i32
    %dma_start3A_10 = arith.constant 0 : i32
    %dma_start3A_11 = tpu.memref_slice %arg2[%add3A_9, %dma_start3A_10] : memref<8192x1024xf32, #tpu.memory_space<hbm>> -> memref<32x1024xf32, #tpu.memory_space<hbm>>
    %dma_start3A_12 = arith.constant 0 : i32
    %dma_start3A_13 = tpu.memref_slice %arg2[%add3A_9, %dma_start3A_12] : memref<8192x1024xf32, #tpu.memory_space<hbm>> -> memref<32x1024xf32, #tpu.memory_space<hbm>>
    tpu.enqueue_dma source(%dma_start3A_13 : memref<32x1024xf32, #tpu.memory_space<hbm>>) target(%arg5 : memref<32x1024xf32, #tpu.memory_space<vmem>>) target_semaphore(%arg7 : memref<!tpu.dma_semaphore, #tpu.memory_space<semaphore_mem>>)
    %add3A_14 = arith.constant 64 : i32
    %add3A_15 = arith.addi %mul3A_2, %add3A_14 : i32
    %dma_start3A_16 = arith.constant 0 : i32
    %dma_start3A_17 = tpu.memref_slice %arg2[%add3A_15, %dma_start3A_16] : memref<8192x1024xf32, #tpu.memory_space<hbm>> -> memref<32x1024xf32, #tpu.memory_space<hbm>>
    %dma_start3A_18 = arith.constant 0 : i32
    %dma_start3A_19 = tpu.memref_slice %arg2[%add3A_15, %dma_start3A_18] : memref<8192x1024xf32, #tpu.memory_space<hbm>> -> memref<32x1024xf32, #tpu.memory_space<hbm>>
    tpu.enqueue_dma source(%dma_start3A_19 : memref<32x1024xf32, #tpu.memory_space<hbm>>) target(%arg6 : memref<32x1024xf32, #tpu.memory_space<vmem>>) target_semaphore(%arg7 : memref<!tpu.dma_semaphore, #tpu.memory_space<semaphore_mem>>)
    %dma_wait3A = arith.constant 0 : i32
    %dma_wait3A_20 = tpu.memref_slice %arg2[%add3A_4, %dma_wait3A] : memref<8192x1024xf32, #tpu.memory_space<hbm>> -> memref<32x1024xf32, #tpu.memory_space<hbm>>
    %dma_wait3A_21 = arith.constant 0 : i32
    %dma_wait3A_22 = tpu.memref_slice %arg2[%add3A_4, %dma_wait3A_21] : memref<8192x1024xf32, #tpu.memory_space<hbm>> -> memref<32x1024xf32, #tpu.memory_space<hbm>>
    tpu.wait_dma2 semaphore(%arg7 : memref<!tpu.dma_semaphore, #tpu.memory_space<semaphore_mem>>) src(%dma_wait3A_22 : memref<32x1024xf32, #tpu.memory_space<hbm>>) dst(%arg4 : memref<32x1024xf32, #tpu.memory_space<vmem>>)
    %add3A_23 = arith.constant 0 : i32
    %add3A_24 = arith.addi %mul3A_2, %add3A_23 : i32
    %dma_start3A_25 = arith.constant 0 : i32
    %dma_start3A_26 = arith.constant 0 : i32
    %dma_start3A_27 = tpu.memref_slice %arg3[%dma_start3A_25, %add3A_24, %dma_start3A_26] : memref<4x8192x1024xf32, #tpu.memory_space<hbm>> -> memref<1x32x1024xf32, #tpu.memory_space<hbm>>
    %dma_start3A_28 = tpu.memref_squeeze %dma_start3A_27 : memref<1x32x1024xf32, #tpu.memory_space<hbm>> -> memref<32x1024xf32, #tpu.memory_space<hbm>>
    %dma_start3A_29 = arith.constant 0 : i32
    %dma_start3A_30 = tpu.memref_slice %arg3[%dma_start3A_25, %add3A_24, %dma_start3A_29] : memref<4x8192x1024xf32, #tpu.memory_space<hbm>> -> memref<1x32x1024xf32, #tpu.memory_space<hbm>>
    %dma_start3A_31 = tpu.memref_squeeze %dma_start3A_30 : memref<1x32x1024xf32, #tpu.memory_space<hbm>> -> memref<32x1024xf32, #tpu.memory_space<hbm>>
    tpu.enqueue_dma source(%arg4 : memref<32x1024xf32, #tpu.memory_space<vmem>>) target(%dma_start3A_31 : memref<32x1024xf32, #tpu.memory_space<hbm>>) target_semaphore(%arg8 : memref<!tpu.dma_semaphore, #tpu.memory_space<semaphore_mem>>)
    %add3A_32 = arith.constant 0 : i32
    %add3A_33 = arith.addi %mul3A_2, %add3A_32 : i32
    %dma_start3A_34 = arith.constant 1 : i32
    %dma_start3A_35 = arith.constant 0 : i32
    %dma_start3A_36 = tpu.memref_slice %arg3[%dma_start3A_34, %add3A_33, %dma_start3A_35] : memref<4x8192x1024xf32, #tpu.memory_space<hbm>> -> memref<1x32x1024xf32, #tpu.memory_space<hbm>>
    %dma_start3A_37 = tpu.memref_squeeze %dma_start3A_36 : memref<1x32x1024xf32, #tpu.memory_space<hbm>> -> memref<32x1024xf32, #tpu.memory_space<hbm>>
    %dma_start3A_38 = arith.constant 0 : i32
    %dma_start3A_39 = tpu.memref_slice %arg3[%dma_start3A_34, %add3A_33, %dma_start3A_38] : memref<4x8192x1024xf32, #tpu.memory_space<hbm>> -> memref<1x32x1024xf32, #tpu.memory_space<hbm>>
    %dma_start3A_40 = tpu.memref_squeeze %dma_start3A_39 : memref<1x32x1024xf32, #tpu.memory_space<hbm>> -> memref<32x1024xf32, #tpu.memory_space<hbm>>
    tpu.enqueue_dma source(%arg4 : memref<32x1024xf32, #tpu.memory_space<vmem>>) target(%dma_start3A_40 : memref<32x1024xf32, #tpu.memory_space<hbm>>) target_semaphore(%arg8 : memref<!tpu.dma_semaphore, #tpu.memory_space<semaphore_mem>>)
    %add3A_41 = arith.constant 0 : i32
    %add3A_42 = arith.addi %mul3A_2, %add3A_41 : i32
    %dma_start3A_43 = arith.constant 2 : i32
    %dma_start3A_44 = arith.constant 0 : i32
    %dma_start3A_45 = tpu.memref_slice %arg3[%dma_start3A_43, %add3A_42, %dma_start3A_44] : memref<4x8192x1024xf32, #tpu.memory_space<hbm>> -> memref<1x32x1024xf32, #tpu.memory_space<hbm>>
    %dma_start3A_46 = tpu.memref_squeeze %dma_start3A_45 : memref<1x32x1024xf32, #tpu.memory_space<hbm>> -> memref<32x1024xf32, #tpu.memory_space<hbm>>
    %dma_start3A_47 = arith.constant 0 : i32
    %dma_start3A_48 = tpu.memref_slice %arg3[%dma_start3A_43, %add3A_42, %dma_start3A_47] : memref<4x8192x1024xf32, #tpu.memory_space<hbm>> -> memref<1x32x1024xf32, #tpu.memory_space<hbm>>
    %dma_start3A_49 = tpu.memref_squeeze %dma_start3A_48 : memref<1x32x1024xf32, #tpu.memory_space<hbm>> -> memref<32x1024xf32, #tpu.memory_space<hbm>>
    tpu.enqueue_dma source(%arg4 : memref<32x1024xf32, #tpu.memory_space<vmem>>) target(%dma_start3A_49 : memref<32x1024xf32, #tpu.memory_space<hbm>>) target_semaphore(%arg8 : memref<!tpu.dma_semaphore, #tpu.memory_space<semaphore_mem>>)
    %add3A_50 = arith.constant 0 : i32
    %add3A_51 = arith.addi %mul3A_2, %add3A_50 : i32
    %dma_start3A_52 = arith.constant 3 : i32
    %dma_start3A_53 = arith.constant 0 : i32
    %dma_start3A_54 = tpu.memref_slice %arg3[%dma_start3A_52, %add3A_51, %dma_start3A_53] : memref<4x8192x1024xf32, #tpu.memory_space<hbm>> -> memref<1x32x1024xf32, #tpu.memory_space<hbm>>
    %dma_start3A_55 = tpu.memref_squeeze %dma_start3A_54 : memref<1x32x1024xf32, #tpu.memory_space<hbm>> -> memref<32x1024xf32, #tpu.memory_space<hbm>>
    %dma_start3A_56 = arith.constant 0 : i32
    %dma_start3A_57 = tpu.memref_slice %arg3[%dma_start3A_52, %add3A_51, %dma_start3A_56] : memref<4x8192x1024xf32, #tpu.memory_space<hbm>> -> memref<1x32x1024xf32, #tpu.memory_space<hbm>>
    %dma_start3A_58 = tpu.memref_squeeze %dma_start3A_57 : memref<1x32x1024xf32, #tpu.memory_space<hbm>> -> memref<32x1024xf32, #tpu.memory_space<hbm>>
    tpu.enqueue_dma source(%arg4 : memref<32x1024xf32, #tpu.memory_space<vmem>>) target(%dma_start3A_58 : memref<32x1024xf32, #tpu.memory_space<hbm>>) target_semaphore(%arg8 : memref<!tpu.dma_semaphore, #tpu.memory_space<semaphore_mem>>)
    %dma_wait3A_59 = arith.constant 0 : i32
    %dma_wait3A_60 = arith.constant 0 : i32
    %dma_wait3A_61 = tpu.memref_slice %arg3[%dma_wait3A_59, %add3A_24, %dma_wait3A_60] : memref<4x8192x1024xf32, #tpu.memory_space<hbm>> -> memref<1x32x1024xf32, #tpu.memory_space<hbm>>
    %dma_wait3A_62 = tpu.memref_squeeze %dma_wait3A_61 : memref<1x32x1024xf32, #tpu.memory_space<hbm>> -> memref<32x1024xf32, #tpu.memory_space<hbm>>
    %dma_wait3A_63 = arith.constant 0 : i32
    %dma_wait3A_64 = tpu.memref_slice %arg3[%dma_wait3A_59, %add3A_24, %dma_wait3A_63] : memref<4x8192x1024xf32, #tpu.memory_space<hbm>> -> memref<1x32x1024xf32, #tpu.memory_space<hbm>>
    %dma_wait3A_65 = tpu.memref_squeeze %dma_wait3A_64 : memref<1x32x1024xf32, #tpu.memory_space<hbm>> -> memref<32x1024xf32, #tpu.memory_space<hbm>>
    tpu.wait_dma2 semaphore(%arg8 : memref<!tpu.dma_semaphore, #tpu.memory_space<semaphore_mem>>) src(%arg4 : memref<32x1024xf32, #tpu.memory_space<vmem>>) dst(%dma_wait3A_65 : memref<32x1024xf32, #tpu.memory_space<hbm>>)
    %dma_wait3A_66 = arith.constant 1 : i32
    %dma_wait3A_67 = arith.constant 0 : i32
    %dma_wait3A_68 = tpu.memref_slice %arg3[%dma_wait3A_66, %add3A_33, %dma_wait3A_67] : memref<4x8192x1024xf32, #tpu.memory_space<hbm>> -> memref<1x32x1024xf32, #tpu.memory_space<hbm>>
    %dma_wait3A_69 = tpu.memref_squeeze %dma_wait3A_68 : memref<1x32x1024xf32, #tpu.memory_space<hbm>> -> memref<32x1024xf32, #tpu.memory_space<hbm>>
    %dma_wait3A_70 = arith.constant 0 : i32
    %dma_wait3A_71 = tpu.memref_slice %arg3[%dma_wait3A_66, %add3A_33, %dma_wait3A_70] : memref<4x8192x1024xf32, #tpu.memory_space<hbm>> -> memref<1x32x1024xf32, #tpu.memory_space<hbm>>
    %dma_wait3A_72 = tpu.memref_squeeze %dma_wait3A_71 : memref<1x32x1024xf32, #tpu.memory_space<hbm>> -> memref<32x1024xf32, #tpu.memory_space<hbm>>
    tpu.wait_dma2 semaphore(%arg8 : memref<!tpu.dma_semaphore, #tpu.memory_space<semaphore_mem>>) src(%arg4 : memref<32x1024xf32, #tpu.memory_space<vmem>>) dst(%dma_wait3A_72 : memref<32x1024xf32, #tpu.memory_space<hbm>>)
    %dma_wait3A_73 = arith.constant 2 : i32
    %dma_wait3A_74 = arith.constant 0 : i32
    %dma_wait3A_75 = tpu.memref_slice %arg3[%dma_wait3A_73, %add3A_42, %dma_wait3A_74] : memref<4x8192x1024xf32, #tpu.memory_space<hbm>> -> memref<1x32x1024xf32, #tpu.memory_space<hbm>>
    %dma_wait3A_76 = tpu.memref_squeeze %dma_wait3A_75 : memref<1x32x1024xf32, #tpu.memory_space<hbm>> -> memref<32x1024xf32, #tpu.memory_space<hbm>>
    %dma_wait3A_77 = arith.constant 0 : i32
    %dma_wait3A_78 = tpu.memref_slice %arg3[%dma_wait3A_73, %add3A_42, %dma_wait3A_77] : memref<4x8192x1024xf32, #tpu.memory_space<hbm>> -> memref<1x32x1024xf32, #tpu.memory_space<hbm>>
    %dma_wait3A_79 = tpu.memref_squeeze %dma_wait3A_78 : memref<1x32x1024xf32, #tpu.memory_space<hbm>> -> memref<32x1024xf32, #tpu.memory_space<hbm>>
    tpu.wait_dma2 semaphore(%arg8 : memref<!tpu.dma_semaphore, #tpu.memory_space<semaphore_mem>>) src(%arg4 : memref<32x1024xf32, #tpu.memory_space<vmem>>) dst(%dma_wait3A_79 : memref<32x1024xf32, #tpu.memory_space<hbm>>)
    %dma_wait3A_80 = arith.constant 3 : i32
    %dma_wait3A_81 = arith.constant 0 : i32
    %dma_wait3A_82 = tpu.memref_slice %arg3[%dma_wait3A_80, %add3A_51, %dma_wait3A_81] : memref<4x8192x1024xf32, #tpu.memory_space<hbm>> -> memref<1x32x1024xf32, #tpu.memory_space<hbm>>
    %dma_wait3A_83 = tpu.memref_squeeze %dma_wait3A_82 : memref<1x32x1024xf32, #tpu.memory_space<hbm>> -> memref<32x1024xf32, #tpu.memory_space<hbm>>
    %dma_wait3A_84 = arith.constant 0 : i32
    %dma_wait3A_85 = tpu.memref_slice %arg3[%dma_wait3A_80, %add3A_51, %dma_wait3A_84] : memref<4x8192x1024xf32, #tpu.memory_space<hbm>> -> memref<1x32x1024xf32, #tpu.memory_space<hbm>>
    %dma_wait3A_86 = tpu.memref_squeeze %dma_wait3A_85 : memref<1x32x1024xf32, #tpu.memory_space<hbm>> -> memref<32x1024xf32, #tpu.memory_space<hbm>>
    tpu.wait_dma2 semaphore(%arg8 : memref<!tpu.dma_semaphore, #tpu.memory_space<semaphore_mem>>) src(%arg4 : memref<32x1024xf32, #tpu.memory_space<vmem>>) dst(%dma_wait3A_86 : memref<32x1024xf32, #tpu.memory_space<hbm>>)
    %add3A_87 = arith.constant 96 : i32
    %add3A_88 = arith.addi %mul3A_2, %add3A_87 : i32
    %dma_start3A_89 = arith.constant 0 : i32
    %dma_start3A_90 = tpu.memref_slice %arg2[%add3A_88, %dma_start3A_89] : memref<8192x1024xf32, #tpu.memory_space<hbm>> -> memref<32x1024xf32, #tpu.memory_space<hbm>>
    %dma_start3A_91 = arith.constant 0 : i32
    %dma_start3A_92 = tpu.memref_slice %arg2[%add3A_88, %dma_start3A_91] : memref<8192x1024xf32, #tpu.memory_space<hbm>> -> memref<32x1024xf32, #tpu.memory_space<hbm>>
    tpu.enqueue_dma source(%dma_start3A_92 : memref<32x1024xf32, #tpu.memory_space<hbm>>) target(%arg4 : memref<32x1024xf32, #tpu.memory_space<vmem>>) target_semaphore(%arg7 : memref<!tpu.dma_semaphore, #tpu.memory_space<semaphore_mem>>)
    %dma_wait3A_93 = arith.constant 0 : i32
    %dma_wait3A_94 = tpu.memref_slice %arg2[%add3A_9, %dma_wait3A_93] : memref<8192x1024xf32, #tpu.memory_space<hbm>> -> memref<32x1024xf32, #tpu.memory_space<hbm>>
    %dma_wait3A_95 = arith.constant 0 : i32
    %dma_wait3A_96 = tpu.memref_slice %arg2[%add3A_9, %dma_wait3A_95] : memref<8192x1024xf32, #tpu.memory_space<hbm>> -> memref<32x1024xf32, #tpu.memory_space<hbm>>
    tpu.wait_dma2 semaphore(%arg7 : memref<!tpu.dma_semaphore, #tpu.memory_space<semaphore_mem>>) src(%dma_wait3A_96 : memref<32x1024xf32, #tpu.memory_space<hbm>>) dst(%arg5 : memref<32x1024xf32, #tpu.memory_space<vmem>>)
    %add3A_97 = arith.constant 32 : i32
    %add3A_98 = arith.addi %mul3A_2, %add3A_97 : i32
    %dma_start3A_99 = arith.constant 0 : i32
    %dma_start3A_100 = arith.constant 0 : i32
    %dma_start3A_101 = tpu.memref_slice %arg3[%dma_start3A_99, %add3A_98, %dma_start3A_100] : memref<4x8192x1024xf32, #tpu.memory_space<hbm>> -> memref<1x32x1024xf32, #tpu.memory_space<hbm>>
    %dma_start3A_102 = tpu.memref_squeeze %dma_start3A_101 : memref<1x32x1024xf32, #tpu.memory_space<hbm>> -> memref<32x1024xf32, #tpu.memory_space<hbm>>
    %dma_start3A_103 = arith.constant 0 : i32
    %dma_start3A_104 = tpu.memref_slice %arg3[%dma_start3A_99, %add3A_98, %dma_start3A_103] : memref<4x8192x1024xf32, #tpu.memory_space<hbm>> -> memref<1x32x1024xf32, #tpu.memory_space<hbm>>
    %dma_start3A_105 = tpu.memref_squeeze %dma_start3A_104 : memref<1x32x1024xf32, #tpu.memory_space<hbm>> -> memref<32x1024xf32, #tpu.memory_space<hbm>>
    tpu.enqueue_dma source(%arg5 : memref<32x1024xf32, #tpu.memory_space<vmem>>) target(%dma_start3A_105 : memref<32x1024xf32, #tpu.memory_space<hbm>>) target_semaphore(%arg8 : memref<!tpu.dma_semaphore, #tpu.memory_space<semaphore_mem>>)
    %add3A_106 = arith.constant 32 : i32
    %add3A_107 = arith.addi %mul3A_2, %add3A_106 : i32
    %dma_start3A_108 = arith.constant 1 : i32
    %dma_start3A_109 = arith.constant 0 : i32
    %dma_start3A_110 = tpu.memref_slice %arg3[%dma_start3A_108, %add3A_107, %dma_start3A_109] : memref<4x8192x1024xf32, #tpu.memory_space<hbm>> -> memref<1x32x1024xf32, #tpu.memory_space<hbm>>
    %dma_start3A_111 = tpu.memref_squeeze %dma_start3A_110 : memref<1x32x1024xf32, #tpu.memory_space<hbm>> -> memref<32x1024xf32, #tpu.memory_space<hbm>>
    %dma_start3A_112 = arith.constant 0 : i32
    %dma_start3A_113 = tpu.memref_slice %arg3[%dma_start3A_108, %add3A_107, %dma_start3A_112] : memref<4x8192x1024xf32, #tpu.memory_space<hbm>> -> memref<1x32x1024xf32, #tpu.memory_space<hbm>>
    %dma_start3A_114 = tpu.memref_squeeze %dma_start3A_113 : memref<1x32x1024xf32, #tpu.memory_space<hbm>> -> memref<32x1024xf32, #tpu.memory_space<hbm>>
    tpu.enqueue_dma source(%arg5 : memref<32x1024xf32, #tpu.memory_space<vmem>>) target(%dma_start3A_114 : memref<32x1024xf32, #tpu.memory_space<hbm>>) target_semaphore(%arg8 : memref<!tpu.dma_semaphore, #tpu.memory_space<semaphore_mem>>)
    %add3A_115 = arith.constant 32 : i32
    %add3A_116 = arith.addi %mul3A_2, %add3A_115 : i32
    %dma_start3A_117 = arith.constant 2 : i32
    %dma_start3A_118 = arith.constant 0 : i32
    %dma_start3A_119 = tpu.memref_slice %arg3[%dma_start3A_117, %add3A_116, %dma_start3A_118] : memref<4x8192x1024xf32, #tpu.memory_space<hbm>> -> memref<1x32x1024xf32, #tpu.memory_space<hbm>>
    %dma_start3A_120 = tpu.memref_squeeze %dma_start3A_119 : memref<1x32x1024xf32, #tpu.memory_space<hbm>> -> memref<32x1024xf32, #tpu.memory_space<hbm>>
    %dma_start3A_121 = arith.constant 0 : i32
    %dma_start3A_122 = tpu.memref_slice %arg3[%dma_start3A_117, %add3A_116, %dma_start3A_121] : memref<4x8192x1024xf32, #tpu.memory_space<hbm>> -> memref<1x32x1024xf32, #tpu.memory_space<hbm>>
    %dma_start3A_123 = tpu.memref_squeeze %dma_start3A_122 : memref<1x32x1024xf32, #tpu.memory_space<hbm>> -> memref<32x1024xf32, #tpu.memory_space<hbm>>
    tpu.enqueue_dma source(%arg5 : memref<32x1024xf32, #tpu.memory_space<vmem>>) target(%dma_start3A_123 : memref<32x1024xf32, #tpu.memory_space<hbm>>) target_semaphore(%arg8 : memref<!tpu.dma_semaphore, #tpu.memory_space<semaphore_mem>>)
    %add3A_124 = arith.constant 32 : i32
    %add3A_125 = arith.addi %mul3A_2, %add3A_124 : i32
    %dma_start3A_126 = arith.constant 3 : i32
    %dma_start3A_127 = arith.constant 0 : i32
    %dma_start3A_128 = tpu.memref_slice %arg3[%dma_start3A_126, %add3A_125, %dma_start3A_127] : memref<4x8192x1024xf32, #tpu.memory_space<hbm>> -> memref<1x32x1024xf32, #tpu.memory_space<hbm>>
    %dma_start3A_129 = tpu.memref_squeeze %dma_start3A_128 : memref<1x32x1024xf32, #tpu.memory_space<hbm>> -> memref<32x1024xf32, #tpu.memory_space<hbm>>
    %dma_start3A_130 = arith.constant 0 : i32
    %dma_start3A_131 = tpu.memref_slice %arg3[%dma_start3A_126, %add3A_125, %dma_start3A_130] : memref<4x8192x1024xf32, #tpu.memory_space<hbm>> -> memref<1x32x1024xf32, #tpu.memory_space<hbm>>
    %dma_start3A_132 = tpu.memref_squeeze %dma_start3A_131 : memref<1x32x1024xf32, #tpu.memory_space<hbm>> -> memref<32x1024xf32, #tpu.memory_space<hbm>>
    tpu.enqueue_dma source(%arg5 : memref<32x1024xf32, #tpu.memory_space<vmem>>) target(%dma_start3A_132 : memref<32x1024xf32, #tpu.memory_space<hbm>>) target_semaphore(%arg8 : memref<!tpu.dma_semaphore, #tpu.memory_space<semaphore_mem>>)
    %dma_wait3A_133 = arith.constant 0 : i32
    %dma_wait3A_134 = arith.constant 0 : i32
    %dma_wait3A_135 = tpu.memref_slice %arg3[%dma_wait3A_133, %add3A_98, %dma_wait3A_134] : memref<4x8192x1024xf32, #tpu.memory_space<hbm>> -> memref<1x32x1024xf32, #tpu.memory_space<hbm>>
    %dma_wait3A_136 = tpu.memref_squeeze %dma_wait3A_135 : memref<1x32x1024xf32, #tpu.memory_space<hbm>> -> memref<32x1024xf32, #tpu.memory_space<hbm>>
    %dma_wait3A_137 = arith.constant 0 : i32
    %dma_wait3A_138 = tpu.memref_slice %arg3[%dma_wait3A_133, %add3A_98, %dma_wait3A_137] : memref<4x8192x1024xf32, #tpu.memory_space<hbm>> -> memref<1x32x1024xf32, #tpu.memory_space<hbm>>
    %dma_wait3A_139 = tpu.memref_squeeze %dma_wait3A_138 : memref<1x32x1024xf32, #tpu.memory_space<hbm>> -> memref<32x1024xf32, #tpu.memory_space<hbm>>
    tpu.wait_dma2 semaphore(%arg8 : memref<!tpu.dma_semaphore, #tpu.memory_space<semaphore_mem>>) src(%arg5 : memref<32x1024xf32, #tpu.memory_space<vmem>>) dst(%dma_wait3A_139 : memref<32x1024xf32, #tpu.memory_space<hbm>>)
    %dma_wait3A_140 = arith.constant 1 : i32
    %dma_wait3A_141 = arith.constant 0 : i32
    %dma_wait3A_142 = tpu.memref_slice %arg3[%dma_wait3A_140, %add3A_107, %dma_wait3A_141] : memref<4x8192x1024xf32, #tpu.memory_space<hbm>> -> memref<1x32x1024xf32, #tpu.memory_space<hbm>>
    %dma_wait3A_143 = tpu.memref_squeeze %dma_wait3A_142 : memref<1x32x1024xf32, #tpu.memory_space<hbm>> -> memref<32x1024xf32, #tpu.memory_space<hbm>>
    %dma_wait3A_144 = arith.constant 0 : i32
    %dma_wait3A_145 = tpu.memref_slice %arg3[%dma_wait3A_140, %add3A_107, %dma_wait3A_144] : memref<4x8192x1024xf32, #tpu.memory_space<hbm>> -> memref<1x32x1024xf32, #tpu.memory_space<hbm>>
    %dma_wait3A_146 = tpu.memref_squeeze %dma_wait3A_145 : memref<1x32x1024xf32, #tpu.memory_space<hbm>> -> memref<32x1024xf32, #tpu.memory_space<hbm>>
    tpu.wait_dma2 semaphore(%arg8 : memref<!tpu.dma_semaphore, #tpu.memory_space<semaphore_mem>>) src(%arg5 : memref<32x1024xf32, #tpu.memory_space<vmem>>) dst(%dma_wait3A_146 : memref<32x1024xf32, #tpu.memory_space<hbm>>)
    %dma_wait3A_147 = arith.constant 2 : i32
    %dma_wait3A_148 = arith.constant 0 : i32
    %dma_wait3A_149 = tpu.memref_slice %arg3[%dma_wait3A_147, %add3A_116, %dma_wait3A_148] : memref<4x8192x1024xf32, #tpu.memory_space<hbm>> -> memref<1x32x1024xf32, #tpu.memory_space<hbm>>
    %dma_wait3A_150 = tpu.memref_squeeze %dma_wait3A_149 : memref<1x32x1024xf32, #tpu.memory_space<hbm>> -> memref<32x1024xf32, #tpu.memory_space<hbm>>
    %dma_wait3A_151 = arith.constant 0 : i32
    %dma_wait3A_152 = tpu.memref_slice %arg3[%dma_wait3A_147, %add3A_116, %dma_wait3A_151] : memref<4x8192x1024xf32, #tpu.memory_space<hbm>> -> memref<1x32x1024xf32, #tpu.memory_space<hbm>>
    %dma_wait3A_153 = tpu.memref_squeeze %dma_wait3A_152 : memref<1x32x1024xf32, #tpu.memory_space<hbm>> -> memref<32x1024xf32, #tpu.memory_space<hbm>>
    tpu.wait_dma2 semaphore(%arg8 : memref<!tpu.dma_semaphore, #tpu.memory_space<semaphore_mem>>) src(%arg5 : memref<32x1024xf32, #tpu.memory_space<vmem>>) dst(%dma_wait3A_153 : memref<32x1024xf32, #tpu.memory_space<hbm>>)
    %dma_wait3A_154 = arith.constant 3 : i32
    %dma_wait3A_155 = arith.constant 0 : i32
    %dma_wait3A_156 = tpu.memref_slice %arg3[%dma_wait3A_154, %add3A_125, %dma_wait3A_155] : memref<4x8192x1024xf32, #tpu.memory_space<hbm>> -> memref<1x32x1024xf32, #tpu.memory_space<hbm>>
    %dma_wait3A_157 = tpu.memref_squeeze %dma_wait3A_156 : memref<1x32x1024xf32, #tpu.memory_space<hbm>> -> memref<32x1024xf32, #tpu.memory_space<hbm>>
    %dma_wait3A_158 = arith.constant 0 : i32
    %dma_wait3A_159 = tpu.memref_slice %arg3[%dma_wait3A_154, %add3A_125, %dma_wait3A_158] : memref<4x8192x1024xf32, #tpu.memory_space<hbm>> -> memref<1x32x1024xf32, #tpu.memory_space<hbm>>
    %dma_wait3A_160 = tpu.memref_squeeze %dma_wait3A_159 : memref<1x32x1024xf32, #tpu.memory_space<hbm>> -> memref<32x1024xf32, #tpu.memory_space<hbm>>
    tpu.wait_dma2 semaphore(%arg8 : memref<!tpu.dma_semaphore, #tpu.memory_space<semaphore_mem>>) src(%arg5 : memref<32x1024xf32, #tpu.memory_space<vmem>>) dst(%dma_wait3A_160 : memref<32x1024xf32, #tpu.memory_space<hbm>>)
    %add3A_161 = arith.constant 128 : i32
    %add3A_162 = arith.addi %mul3A_2, %add3A_161 : i32
    %dma_start3A_163 = arith.constant 0 : i32
    %dma_start3A_164 = tpu.memref_slice %arg2[%add3A_162, %dma_start3A_163] : memref<8192x1024xf32, #tpu.memory_space<hbm>> -> memref<32x1024xf32, #tpu.memory_space<hbm>>
    %dma_start3A_165 = arith.constant 0 : i32
    %dma_start3A_166 = tpu.memref_slice %arg2[%add3A_162, %dma_start3A_165] : memref<8192x1024xf32, #tpu.memory_space<hbm>> -> memref<32x1024xf32, #tpu.memory_space<hbm>>
    tpu.enqueue_dma source(%dma_start3A_166 : memref<32x1024xf32, #tpu.memory_space<hbm>>) target(%arg5 : memref<32x1024xf32, #tpu.memory_space<vmem>>) target_semaphore(%arg7 : memref<!tpu.dma_semaphore, #tpu.memory_space<semaphore_mem>>)
    %dma_wait3A_167 = arith.constant 0 : i32
    %dma_wait3A_168 = tpu.memref_slice %arg2[%add3A_15, %dma_wait3A_167] : memref<8192x1024xf32, #tpu.memory_space<hbm>> -> memref<32x1024xf32, #tpu.memory_space<hbm>>
    %dma_wait3A_169 = arith.constant 0 : i32
    %dma_wait3A_170 = tpu.memref_slice %arg2[%add3A_15, %dma_wait3A_169] : memref<8192x1024xf32, #tpu.memory_space<hbm>> -> memref<32x1024xf32, #tpu.memory_space<hbm>>
    tpu.wait_dma2 semaphore(%arg7 : memref<!tpu.dma_semaphore, #tpu.memory_space<semaphore_mem>>) src(%dma_wait3A_170 : memref<32x1024xf32, #tpu.memory_space<hbm>>) dst(%arg6 : memref<32x1024xf32, #tpu.memory_space<vmem>>)
    %add3A_171 = arith.constant 64 : i32
    %add3A_172 = arith.addi %mul3A_2, %add3A_171 : i32
    %dma_start3A_173 = arith.constant 0 : i32
    %dma_start3A_174 = arith.constant 0 : i32
    %dma_start3A_175 = tpu.memref_slice %arg3[%dma_start3A_173, %add3A_172, %dma_start3A_174] : memref<4x8192x1024xf32, #tpu.memory_space<hbm>> -> memref<1x32x1024xf32, #tpu.memory_space<hbm>>
    %dma_start3A_176 = tpu.memref_squeeze %dma_start3A_175 : memref<1x32x1024xf32, #tpu.memory_space<hbm>> -> memref<32x1024xf32, #tpu.memory_space<hbm>>
    %dma_start3A_177 = arith.constant 0 : i32
    %dma_start3A_178 = tpu.memref_slice %arg3[%dma_start3A_173, %add3A_172, %dma_start3A_177] : memref<4x8192x1024xf32, #tpu.memory_space<hbm>> -> memref<1x32x1024xf32, #tpu.memory_space<hbm>>
    %dma_start3A_179 = tpu.memref_squeeze %dma_start3A_178 : memref<1x32x1024xf32, #tpu.memory_space<hbm>> -> memref<32x1024xf32, #tpu.memory_space<hbm>>
    tpu.enqueue_dma source(%arg6 : memref<32x1024xf32, #tpu.memory_space<vmem>>) target(%dma_start3A_179 : memref<32x1024xf32, #tpu.memory_space<hbm>>) target_semaphore(%arg8 : memref<!tpu.dma_semaphore, #tpu.memory_space<semaphore_mem>>)
    %add3A_180 = arith.constant 64 : i32
    %add3A_181 = arith.addi %mul3A_2, %add3A_180 : i32
    %dma_start3A_182 = arith.constant 1 : i32
    %dma_start3A_183 = arith.constant 0 : i32
    %dma_start3A_184 = tpu.memref_slice %arg3[%dma_start3A_182, %add3A_181, %dma_start3A_183] : memref<4x8192x1024xf32, #tpu.memory_space<hbm>> -> memref<1x32x1024xf32, #tpu.memory_space<hbm>>
    %dma_start3A_185 = tpu.memref_squeeze %dma_start3A_184 : memref<1x32x1024xf32, #tpu.memory_space<hbm>> -> memref<32x1024xf32, #tpu.memory_space<hbm>>
    %dma_start3A_186 = arith.constant 0 : i32
    %dma_start3A_187 = tpu.memref_slice %arg3[%dma_start3A_182, %add3A_181, %dma_start3A_186] : memref<4x8192x1024xf32, #tpu.memory_space<hbm>> -> memref<1x32x1024xf32, #tpu.memory_space<hbm>>
    %dma_start3A_188 = tpu.memref_squeeze %dma_start3A_187 : memref<1x32x1024xf32, #tpu.memory_space<hbm>> -> memref<32x1024xf32, #tpu.memory_space<hbm>>
    tpu.enqueue_dma source(%arg6 : memref<32x1024xf32, #tpu.memory_space<vmem>>) target(%dma_start3A_188 : memref<32x1024xf32, #tpu.memory_space<hbm>>) target_semaphore(%arg8 : memref<!tpu.dma_semaphore, #tpu.memory_space<semaphore_mem>>)
    %add3A_189 = arith.constant 64 : i32
    %add3A_190 = arith.addi %mul3A_2, %add3A_189 : i32
    %dma_start3A_191 = arith.constant 2 : i32
    %dma_start3A_192 = arith.constant 0 : i32
    %dma_start3A_193 = tpu.memref_slice %arg3[%dma_start3A_191, %add3A_190, %dma_start3A_192] : memref<4x8192x1024xf32, #tpu.memory_space<hbm>> -> memref<1x32x1024xf32, #tpu.memory_space<hbm>>
    %dma_start3A_194 = tpu.memref_squeeze %dma_start3A_193 : memref<1x32x1024xf32, #tpu.memory_space<hbm>> -> memref<32x1024xf32, #tpu.memory_space<hbm>>
    %dma_start3A_195 = arith.constant 0 : i32
    %dma_start3A_196 = tpu.memref_slice %arg3[%dma_start3A_191, %add3A_190, %dma_start3A_195] : memref<4x8192x1024xf32, #tpu.memory_space<hbm>> -> memref<1x32x1024xf32, #tpu.memory_space<hbm>>
    %dma_start3A_197 = tpu.memref_squeeze %dma_start3A_196 : memref<1x32x1024xf32, #tpu.memory_space<hbm>> -> memref<32x1024xf32, #tpu.memory_space<hbm>>
    tpu.enqueue_dma source(%arg6 : memref<32x1024xf32, #tpu.memory_space<vmem>>) target(%dma_start3A_197 : memref<32x1024xf32, #tpu.memory_space<hbm>>) target_semaphore(%arg8 : memref<!tpu.dma_semaphore, #tpu.memory_space<semaphore_mem>>)
    %add3A_198 = arith.constant 64 : i32
    %add3A_199 = arith.addi %mul3A_2, %add3A_198 : i32
    %dma_start3A_200 = arith.constant 3 : i32
    %dma_start3A_201 = arith.constant 0 : i32
    %dma_start3A_202 = tpu.memref_slice %arg3[%dma_start3A_200, %add3A_199, %dma_start3A_201] : memref<4x8192x1024xf32, #tpu.memory_space<hbm>> -> memref<1x32x1024xf32, #tpu.memory_space<hbm>>
    %dma_start3A_203 = tpu.memref_squeeze %dma_start3A_202 : memref<1x32x1024xf32, #tpu.memory_space<hbm>> -> memref<32x1024xf32, #tpu.memory_space<hbm>>
    %dma_start3A_204 = arith.constant 0 : i32
    %dma_start3A_205 = tpu.memref_slice %arg3[%dma_start3A_200, %add3A_199, %dma_start3A_204] : memref<4x8192x1024xf32, #tpu.memory_space<hbm>> -> memref<1x32x1024xf32, #tpu.memory_space<hbm>>
    %dma_start3A_206 = tpu.memref_squeeze %dma_start3A_205 : memref<1x32x1024xf32, #tpu.memory_space<hbm>> -> memref<32x1024xf32, #tpu.memory_space<hbm>>
    tpu.enqueue_dma source(%arg6 : memref<32x1024xf32, #tpu.memory_space<vmem>>) target(%dma_start3A_206 : memref<32x1024xf32, #tpu.memory_space<hbm>>) target_semaphore(%arg8 : memref<!tpu.dma_semaphore, #tpu.memory_space<semaphore_mem>>)
    %dma_wait3A_207 = arith.constant 0 : i32
    %dma_wait3A_208 = arith.constant 0 : i32
    %dma_wait3A_209 = tpu.memref_slice %arg3[%dma_wait3A_207, %add3A_172, %dma_wait3A_208] : memref<4x8192x1024xf32, #tpu.memory_space<hbm>> -> memref<1x32x1024xf32, #tpu.memory_space<hbm>>
    %dma_wait3A_210 = tpu.memref_squeeze %dma_wait3A_209 : memref<1x32x1024xf32, #tpu.memory_space<hbm>> -> memref<32x1024xf32, #tpu.memory_space<hbm>>
    %dma_wait3A_211 = arith.constant 0 : i32
    %dma_wait3A_212 = tpu.memref_slice %arg3[%dma_wait3A_207, %add3A_172, %dma_wait3A_211] : memref<4x8192x1024xf32, #tpu.memory_space<hbm>> -> memref<1x32x1024xf32, #tpu.memory_space<hbm>>
    %dma_wait3A_213 = tpu.memref_squeeze %dma_wait3A_212 : memref<1x32x1024xf32, #tpu.memory_space<hbm>> -> memref<32x1024xf32, #tpu.memory_space<hbm>>
    tpu.wait_dma2 semaphore(%arg8 : memref<!tpu.dma_semaphore, #tpu.memory_space<semaphore_mem>>) src(%arg6 : memref<32x1024xf32, #tpu.memory_space<vmem>>) dst(%dma_wait3A_213 : memref<32x1024xf32, #tpu.memory_space<hbm>>)
    %dma_wait3A_214 = arith.constant 1 : i32
    %dma_wait3A_215 = arith.constant 0 : i32
    %dma_wait3A_216 = tpu.memref_slice %arg3[%dma_wait3A_214, %add3A_181, %dma_wait3A_215] : memref<4x8192x1024xf32, #tpu.memory_space<hbm>> -> memref<1x32x1024xf32, #tpu.memory_space<hbm>>
    %dma_wait3A_217 = tpu.memref_squeeze %dma_wait3A_216 : memref<1x32x1024xf32, #tpu.memory_space<hbm>> -> memref<32x1024xf32, #tpu.memory_space<hbm>>
    %dma_wait3A_218 = arith.constant 0 : i32
    %dma_wait3A_219 = tpu.memref_slice %arg3[%dma_wait3A_214, %add3A_181, %dma_wait3A_218] : memref<4x8192x1024xf32, #tpu.memory_space<hbm>> -> memref<1x32x1024xf32, #tpu.memory_space<hbm>>
    %dma_wait3A_220 = tpu.memref_squeeze %dma_wait3A_219 : memref<1x32x1024xf32, #tpu.memory_space<hbm>> -> memref<32x1024xf32, #tpu.memory_space<hbm>>
    tpu.wait_dma2 semaphore(%arg8 : memref<!tpu.dma_semaphore, #tpu.memory_space<semaphore_mem>>) src(%arg6 : memref<32x1024xf32, #tpu.memory_space<vmem>>) dst(%dma_wait3A_220 : memref<32x1024xf32, #tpu.memory_space<hbm>>)
    %dma_wait3A_221 = arith.constant 2 : i32
    %dma_wait3A_222 = arith.constant 0 : i32
    %dma_wait3A_223 = tpu.memref_slice %arg3[%dma_wait3A_221, %add3A_190, %dma_wait3A_222] : memref<4x8192x1024xf32, #tpu.memory_space<hbm>> -> memref<1x32x1024xf32, #tpu.memory_space<hbm>>
    %dma_wait3A_224 = tpu.memref_squeeze %dma_wait3A_223 : memref<1x32x1024xf32, #tpu.memory_space<hbm>> -> memref<32x1024xf32, #tpu.memory_space<hbm>>
    %dma_wait3A_225 = arith.constant 0 : i32
    %dma_wait3A_226 = tpu.memref_slice %arg3[%dma_wait3A_221, %add3A_190, %dma_wait3A_225] : memref<4x8192x1024xf32, #tpu.memory_space<hbm>> -> memref<1x32x1024xf32, #tpu.memory_space<hbm>>
    %dma_wait3A_227 = tpu.memref_squeeze %dma_wait3A_226 : memref<1x32x1024xf32, #tpu.memory_space<hbm>> -> memref<32x1024xf32, #tpu.memory_space<hbm>>
    tpu.wait_dma2 semaphore(%arg8 : memref<!tpu.dma_semaphore, #tpu.memory_space<semaphore_mem>>) src(%arg6 : memref<32x1024xf32, #tpu.memory_space<vmem>>) dst(%dma_wait3A_227 : memref<32x1024xf32, #tpu.memory_space<hbm>>)
    %dma_wait3A_228 = arith.constant 3 : i32
    %dma_wait3A_229 = arith.constant 0 : i32
    %dma_wait3A_230 = tpu.memref_slice %arg3[%dma_wait3A_228, %add3A_199, %dma_wait3A_229] : memref<4x8192x1024xf32, #tpu.memory_space<hbm>> -> memref<1x32x1024xf32, #tpu.memory_space<hbm>>
    %dma_wait3A_231 = tpu.memref_squeeze %dma_wait3A_230 : memref<1x32x1024xf32, #tpu.memory_space<hbm>> -> memref<32x1024xf32, #tpu.memory_space<hbm>>
    %dma_wait3A_232 = arith.constant 0 : i32
    %dma_wait3A_233 = tpu.memref_slice %arg3[%dma_wait3A_228, %add3A_199, %dma_wait3A_232] : memref<4x8192x1024xf32, #tpu.memory_space<hbm>> -> memref<1x32x1024xf32, #tpu.memory_space<hbm>>
    %dma_wait3A_234 = tpu.memref_squeeze %dma_wait3A_233 : memref<1x32x1024xf32, #tpu.memory_space<hbm>> -> memref<32x1024xf32, #tpu.memory_space<hbm>>
    tpu.wait_dma2 semaphore(%arg8 : memref<!tpu.dma_semaphore, #tpu.memory_space<semaphore_mem>>) src(%arg6 : memref<32x1024xf32, #tpu.memory_space<vmem>>) dst(%dma_wait3A_234 : memref<32x1024xf32, #tpu.memory_space<hbm>>)
    %add3A_235 = arith.constant 160 : i32
    %add3A_236 = arith.addi %mul3A_2, %add3A_235 : i32
    %dma_start3A_237 = arith.constant 0 : i32
    %dma_start3A_238 = tpu.memref_slice %arg2[%add3A_236, %dma_start3A_237] : memref<8192x1024xf32, #tpu.memory_space<hbm>> -> memref<32x1024xf32, #tpu.memory_space<hbm>>
    %dma_start3A_239 = arith.constant 0 : i32
    %dma_start3A_240 = tpu.memref_slice %arg2[%add3A_236, %dma_start3A_239] : memref<8192x1024xf32, #tpu.memory_space<hbm>> -> memref<32x1024xf32, #tpu.memory_space<hbm>>
    tpu.enqueue_dma source(%dma_start3A_240 : memref<32x1024xf32, #tpu.memory_space<hbm>>) target(%arg6 : memref<32x1024xf32, #tpu.memory_space<vmem>>) target_semaphore(%arg7 : memref<!tpu.dma_semaphore, #tpu.memory_space<semaphore_mem>>)
    %dma_wait3A_241 = arith.constant 0 : i32
    %dma_wait3A_242 = tpu.memref_slice %arg2[%add3A_88, %dma_wait3A_241] : memref<8192x1024xf32, #tpu.memory_space<hbm>> -> memref<32x1024xf32, #tpu.memory_space<hbm>>
    %dma_wait3A_243 = arith.constant 0 : i32
    %dma_wait3A_244 = tpu.memref_slice %arg2[%add3A_88, %dma_wait3A_243] : memref<8192x1024xf32, #tpu.memory_space<hbm>> -> memref<32x1024xf32, #tpu.memory_space<hbm>>
    tpu.wait_dma2 semaphore(%arg7 : memref<!tpu.dma_semaphore, #tpu.memory_space<semaphore_mem>>) src(%dma_wait3A_244 : memref<32x1024xf32, #tpu.memory_space<hbm>>) dst(%arg4 : memref<32x1024xf32, #tpu.memory_space<vmem>>)
    %add3A_245 = arith.constant 96 : i32
    %add3A_246 = arith.addi %mul3A_2, %add3A_245 : i32
    %dma_start3A_247 = arith.constant 0 : i32
    %dma_start3A_248 = arith.constant 0 : i32
    %dma_start3A_249 = tpu.memref_slice %arg3[%dma_start3A_247, %add3A_246, %dma_start3A_248] : memref<4x8192x1024xf32, #tpu.memory_space<hbm>> -> memref<1x32x1024xf32, #tpu.memory_space<hbm>>
    %dma_start3A_250 = tpu.memref_squeeze %dma_start3A_249 : memref<1x32x1024xf32, #tpu.memory_space<hbm>> -> memref<32x1024xf32, #tpu.memory_space<hbm>>
    %dma_start3A_251 = arith.constant 0 : i32
    %dma_start3A_252 = tpu.memref_slice %arg3[%dma_start3A_247, %add3A_246, %dma_start3A_251] : memref<4x8192x1024xf32, #tpu.memory_space<hbm>> -> memref<1x32x1024xf32, #tpu.memory_space<hbm>>
    %dma_start3A_253 = tpu.memref_squeeze %dma_start3A_252 : memref<1x32x1024xf32, #tpu.memory_space<hbm>> -> memref<32x1024xf32, #tpu.memory_space<hbm>>
    tpu.enqueue_dma source(%arg4 : memref<32x1024xf32, #tpu.memory_space<vmem>>) target(%dma_start3A_253 : memref<32x1024xf32, #tpu.memory_space<hbm>>) target_semaphore(%arg8 : memref<!tpu.dma_semaphore, #tpu.memory_space<semaphore_mem>>)
    %add3A_254 = arith.constant 96 : i32
    %add3A_255 = arith.addi %mul3A_2, %add3A_254 : i32
    %dma_start3A_256 = arith.constant 1 : i32
    %dma_start3A_257 = arith.constant 0 : i32
    %dma_start3A_258 = tpu.memref_slice %arg3[%dma_start3A_256, %add3A_255, %dma_start3A_257] : memref<4x8192x1024xf32, #tpu.memory_space<hbm>> -> memref<1x32x1024xf32, #tpu.memory_space<hbm>>
    %dma_start3A_259 = tpu.memref_squeeze %dma_start3A_258 : memref<1x32x1024xf32, #tpu.memory_space<hbm>> -> memref<32x1024xf32, #tpu.memory_space<hbm>>
    %dma_start3A_260 = arith.constant 0 : i32
    %dma_start3A_261 = tpu.memref_slice %arg3[%dma_start3A_256, %add3A_255, %dma_start3A_260] : memref<4x8192x1024xf32, #tpu.memory_space<hbm>> -> memref<1x32x1024xf32, #tpu.memory_space<hbm>>
    %dma_start3A_262 = tpu.memref_squeeze %dma_start3A_261 : memref<1x32x1024xf32, #tpu.memory_space<hbm>> -> memref<32x1024xf32, #tpu.memory_space<hbm>>
    tpu.enqueue_dma source(%arg4 : memref<32x1024xf32, #tpu.memory_space<vmem>>) target(%dma_start3A_262 : memref<32x1024xf32, #tpu.memory_space<hbm>>) target_semaphore(%arg8 : memref<!tpu.dma_semaphore, #tpu.memory_space<semaphore_mem>>)
    %add3A_263 = arith.constant 96 : i32
    %add3A_264 = arith.addi %mul3A_2, %add3A_263 : i32
    %dma_start3A_265 = arith.constant 2 : i32
    %dma_start3A_266 = arith.constant 0 : i32
    %dma_start3A_267 = tpu.memref_slice %arg3[%dma_start3A_265, %add3A_264, %dma_start3A_266] : memref<4x8192x1024xf32, #tpu.memory_space<hbm>> -> memref<1x32x1024xf32, #tpu.memory_space<hbm>>
    %dma_start3A_268 = tpu.memref_squeeze %dma_start3A_267 : memref<1x32x1024xf32, #tpu.memory_space<hbm>> -> memref<32x1024xf32, #tpu.memory_space<hbm>>
    %dma_start3A_269 = arith.constant 0 : i32
    %dma_start3A_270 = tpu.memref_slice %arg3[%dma_start3A_265, %add3A_264, %dma_start3A_269] : memref<4x8192x1024xf32, #tpu.memory_space<hbm>> -> memref<1x32x1024xf32, #tpu.memory_space<hbm>>
    %dma_start3A_271 = tpu.memref_squeeze %dma_start3A_270 : memref<1x32x1024xf32, #tpu.memory_space<hbm>> -> memref<32x1024xf32, #tpu.memory_space<hbm>>
    tpu.enqueue_dma source(%arg4 : memref<32x1024xf32, #tpu.memory_space<vmem>>) target(%dma_start3A_271 : memref<32x1024xf32, #tpu.memory_space<hbm>>) target_semaphore(%arg8 : memref<!tpu.dma_semaphore, #tpu.memory_space<semaphore_mem>>)
    %add3A_272 = arith.constant 96 : i32
    %add3A_273 = arith.addi %mul3A_2, %add3A_272 : i32
    %dma_start3A_274 = arith.constant 3 : i32
    %dma_start3A_275 = arith.constant 0 : i32
    %dma_start3A_276 = tpu.memref_slice %arg3[%dma_start3A_274, %add3A_273, %dma_start3A_275] : memref<4x8192x1024xf32, #tpu.memory_space<hbm>> -> memref<1x32x1024xf32, #tpu.memory_space<hbm>>
    %dma_start3A_277 = tpu.memref_squeeze %dma_start3A_276 : memref<1x32x1024xf32, #tpu.memory_space<hbm>> -> memref<32x1024xf32, #tpu.memory_space<hbm>>
    %dma_start3A_278 = arith.constant 0 : i32
    %dma_start3A_279 = tpu.memref_slice %arg3[%dma_start3A_274, %add3A_273, %dma_start3A_278] : memref<4x8192x1024xf32, #tpu.memory_space<hbm>> -> memref<1x32x1024xf32, #tpu.memory_space<hbm>>
    %dma_start3A_280 = tpu.memref_squeeze %dma_start3A_279 : memref<1x32x1024xf32, #tpu.memory_space<hbm>> -> memref<32x1024xf32, #tpu.memory_space<hbm>>
    tpu.enqueue_dma source(%arg4 : memref<32x1024xf32, #tpu.memory_space<vmem>>) target(%dma_start3A_280 : memref<32x1024xf32, #tpu.memory_space<hbm>>) target_semaphore(%arg8 : memref<!tpu.dma_semaphore, #tpu.memory_space<semaphore_mem>>)
    %dma_wait3A_281 = arith.constant 0 : i32
    %dma_wait3A_282 = arith.constant 0 : i32
    %dma_wait3A_283 = tpu.memref_slice %arg3[%dma_wait3A_281, %add3A_246, %dma_wait3A_282] : memref<4x8192x1024xf32, #tpu.memory_space<hbm>> -> memref<1x32x1024xf32, #tpu.memory_space<hbm>>
    %dma_wait3A_284 = tpu.memref_squeeze %dma_wait3A_283 : memref<1x32x1024xf32, #tpu.memory_space<hbm>> -> memref<32x1024xf32, #tpu.memory_space<hbm>>
    %dma_wait3A_285 = arith.constant 0 : i32
    %dma_wait3A_286 = tpu.memref_slice %arg3[%dma_wait3A_281, %add3A_246, %dma_wait3A_285] : memref<4x8192x1024xf32, #tpu.memory_space<hbm>> -> memref<1x32x1024xf32, #tpu.memory_space<hbm>>
    %dma_wait3A_287 = tpu.memref_squeeze %dma_wait3A_286 : memref<1x32x1024xf32, #tpu.memory_space<hbm>> -> memref<32x1024xf32, #tpu.memory_space<hbm>>
    tpu.wait_dma2 semaphore(%arg8 : memref<!tpu.dma_semaphore, #tpu.memory_space<semaphore_mem>>) src(%arg4 : memref<32x1024xf32, #tpu.memory_space<vmem>>) dst(%dma_wait3A_287 : memref<32x1024xf32, #tpu.memory_space<hbm>>)
    %dma_wait3A_288 = arith.constant 1 : i32
    %dma_wait3A_289 = arith.constant 0 : i32
    %dma_wait3A_290 = tpu.memref_slice %arg3[%dma_wait3A_288, %add3A_255, %dma_wait3A_289] : memref<4x8192x1024xf32, #tpu.memory_space<hbm>> -> memref<1x32x1024xf32, #tpu.memory_space<hbm>>
    %dma_wait3A_291 = tpu.memref_squeeze %dma_wait3A_290 : memref<1x32x1024xf32, #tpu.memory_space<hbm>> -> memref<32x1024xf32, #tpu.memory_space<hbm>>
    %dma_wait3A_292 = arith.constant 0 : i32
    %dma_wait3A_293 = tpu.memref_slice %arg3[%dma_wait3A_288, %add3A_255, %dma_wait3A_292] : memref<4x8192x1024xf32, #tpu.memory_space<hbm>> -> memref<1x32x1024xf32, #tpu.memory_space<hbm>>
    %dma_wait3A_294 = tpu.memref_squeeze %dma_wait3A_293 : memref<1x32x1024xf32, #tpu.memory_space<hbm>> -> memref<32x1024xf32, #tpu.memory_space<hbm>>
    tpu.wait_dma2 semaphore(%arg8 : memref<!tpu.dma_semaphore, #tpu.memory_space<semaphore_mem>>) src(%arg4 : memref<32x1024xf32, #tpu.memory_space<vmem>>) dst(%dma_wait3A_294 : memref<32x1024xf32, #tpu.memory_space<hbm>>)
    %dma_wait3A_295 = arith.constant 2 : i32
    %dma_wait3A_296 = arith.constant 0 : i32
    %dma_wait3A_297 = tpu.memref_slice %arg3[%dma_wait3A_295, %add3A_264, %dma_wait3A_296] : memref<4x8192x1024xf32, #tpu.memory_space<hbm>> -> memref<1x32x1024xf32, #tpu.memory_space<hbm>>
    %dma_wait3A_298 = tpu.memref_squeeze %dma_wait3A_297 : memref<1x32x1024xf32, #tpu.memory_space<hbm>> -> memref<32x1024xf32, #tpu.memory_space<hbm>>
    %dma_wait3A_299 = arith.constant 0 : i32
    %dma_wait3A_300 = tpu.memref_slice %arg3[%dma_wait3A_295, %add3A_264, %dma_wait3A_299] : memref<4x8192x1024xf32, #tpu.memory_space<hbm>> -> memref<1x32x1024xf32, #tpu.memory_space<hbm>>
    %dma_wait3A_301 = tpu.memref_squeeze %dma_wait3A_300 : memref<1x32x1024xf32, #tpu.memory_space<hbm>> -> memref<32x1024xf32, #tpu.memory_space<hbm>>
    tpu.wait_dma2 semaphore(%arg8 : memref<!tpu.dma_semaphore, #tpu.memory_space<semaphore_mem>>) src(%arg4 : memref<32x1024xf32, #tpu.memory_space<vmem>>) dst(%dma_wait3A_301 : memref<32x1024xf32, #tpu.memory_space<hbm>>)
    %dma_wait3A_302 = arith.constant 3 : i32
    %dma_wait3A_303 = arith.constant 0 : i32
    %dma_wait3A_304 = tpu.memref_slice %arg3[%dma_wait3A_302, %add3A_273, %dma_wait3A_303] : memref<4x8192x1024xf32, #tpu.memory_space<hbm>> -> memref<1x32x1024xf32, #tpu.memory_space<hbm>>
    %dma_wait3A_305 = tpu.memref_squeeze %dma_wait3A_304 : memref<1x32x1024xf32, #tpu.memory_space<hbm>> -> memref<32x1024xf32, #tpu.memory_space<hbm>>
    %dma_wait3A_306 = arith.constant 0 : i32
    %dma_wait3A_307 = tpu.memref_slice %arg3[%dma_wait3A_302, %add3A_273, %dma_wait3A_306] : memref<4x8192x1024xf32, #tpu.memory_space<hbm>> -> memref<1x32x1024xf32, #tpu.memory_space<hbm>>
    %dma_wait3A_308 = tpu.memref_squeeze %dma_wait3A_307 : memref<1x32x1024xf32, #tpu.memory_space<hbm>> -> memref<32x1024xf32, #tpu.memory_space<hbm>>
    tpu.wait_dma2 semaphore(%arg8 : memref<!tpu.dma_semaphore, #tpu.memory_space<semaphore_mem>>) src(%arg4 : memref<32x1024xf32, #tpu.memory_space<vmem>>) dst(%dma_wait3A_308 : memref<32x1024xf32, #tpu.memory_space<hbm>>)
    %add3A_309 = arith.constant 192 : i32
    %add3A_310 = arith.addi %mul3A_2, %add3A_309 : i32
    %dma_start3A_311 = arith.constant 0 : i32
    %dma_start3A_312 = tpu.memref_slice %arg2[%add3A_310, %dma_start3A_311] : memref<8192x1024xf32, #tpu.memory_space<hbm>> -> memref<32x1024xf32, #tpu.memory_space<hbm>>
    %dma_start3A_313 = arith.constant 0 : i32
    %dma_start3A_314 = tpu.memref_slice %arg2[%add3A_310, %dma_start3A_313] : memref<8192x1024xf32, #tpu.memory_space<hbm>> -> memref<32x1024xf32, #tpu.memory_space<hbm>>
    tpu.enqueue_dma source(%dma_start3A_314 : memref<32x1024xf32, #tpu.memory_space<hbm>>) target(%arg4 : memref<32x1024xf32, #tpu.memory_space<vmem>>) target_semaphore(%arg7 : memref<!tpu.dma_semaphore, #tpu.memory_space<semaphore_mem>>)
    %dma_wait3A_315 = arith.constant 0 : i32
    %dma_wait3A_316 = tpu.memref_slice %arg2[%add3A_162, %dma_wait3A_315] : memref<8192x1024xf32, #tpu.memory_space<hbm>> -> memref<32x1024xf32, #tpu.memory_space<hbm>>
    %dma_wait3A_317 = arith.constant 0 : i32
    %dma_wait3A_318 = tpu.memref_slice %arg2[%add3A_162, %dma_wait3A_317] : memref<8192x1024xf32, #tpu.memory_space<hbm>> -> memref<32x1024xf32, #tpu.memory_space<hbm>>
    tpu.wait_dma2 semaphore(%arg7 : memref<!tpu.dma_semaphore, #tpu.memory_space<semaphore_mem>>) src(%dma_wait3A_318 : memref<32x1024xf32, #tpu.memory_space<hbm>>) dst(%arg5 : memref<32x1024xf32, #tpu.memory_space<vmem>>)
    %add3A_319 = arith.constant 128 : i32
    %add3A_320 = arith.addi %mul3A_2, %add3A_319 : i32
    %dma_start3A_321 = arith.constant 0 : i32
    %dma_start3A_322 = arith.constant 0 : i32
    %dma_start3A_323 = tpu.memref_slice %arg3[%dma_start3A_321, %add3A_320, %dma_start3A_322] : memref<4x8192x1024xf32, #tpu.memory_space<hbm>> -> memref<1x32x1024xf32, #tpu.memory_space<hbm>>
    %dma_start3A_324 = tpu.memref_squeeze %dma_start3A_323 : memref<1x32x1024xf32, #tpu.memory_space<hbm>> -> memref<32x1024xf32, #tpu.memory_space<hbm>>
    %dma_start3A_325 = arith.constant 0 : i32
    %dma_start3A_326 = tpu.memref_slice %arg3[%dma_start3A_321, %add3A_320, %dma_start3A_325] : memref<4x8192x1024xf32, #tpu.memory_space<hbm>> -> memref<1x32x1024xf32, #tpu.memory_space<hbm>>
    %dma_start3A_327 = tpu.memref_squeeze %dma_start3A_326 : memref<1x32x1024xf32, #tpu.memory_space<hbm>> -> memref<32x1024xf32, #tpu.memory_space<hbm>>
    tpu.enqueue_dma source(%arg5 : memref<32x1024xf32, #tpu.memory_space<vmem>>) target(%dma_start3A_327 : memref<32x1024xf32, #tpu.memory_space<hbm>>) target_semaphore(%arg8 : memref<!tpu.dma_semaphore, #tpu.memory_space<semaphore_mem>>)
    %add3A_328 = arith.constant 128 : i32
    %add3A_329 = arith.addi %mul3A_2, %add3A_328 : i32
    %dma_start3A_330 = arith.constant 1 : i32
    %dma_start3A_331 = arith.constant 0 : i32
    %dma_start3A_332 = tpu.memref_slice %arg3[%dma_start3A_330, %add3A_329, %dma_start3A_331] : memref<4x8192x1024xf32, #tpu.memory_space<hbm>> -> memref<1x32x1024xf32, #tpu.memory_space<hbm>>
    %dma_start3A_333 = tpu.memref_squeeze %dma_start3A_332 : memref<1x32x1024xf32, #tpu.memory_space<hbm>> -> memref<32x1024xf32, #tpu.memory_space<hbm>>
    %dma_start3A_334 = arith.constant 0 : i32
    %dma_start3A_335 = tpu.memref_slice %arg3[%dma_start3A_330, %add3A_329, %dma_start3A_334] : memref<4x8192x1024xf32, #tpu.memory_space<hbm>> -> memref<1x32x1024xf32, #tpu.memory_space<hbm>>
    %dma_start3A_336 = tpu.memref_squeeze %dma_start3A_335 : memref<1x32x1024xf32, #tpu.memory_space<hbm>> -> memref<32x1024xf32, #tpu.memory_space<hbm>>
    tpu.enqueue_dma source(%arg5 : memref<32x1024xf32, #tpu.memory_space<vmem>>) target(%dma_start3A_336 : memref<32x1024xf32, #tpu.memory_space<hbm>>) target_semaphore(%arg8 : memref<!tpu.dma_semaphore, #tpu.memory_space<semaphore_mem>>)
    %add3A_337 = arith.constant 128 : i32
    %add3A_338 = arith.addi %mul3A_2, %add3A_337 : i32
    %dma_start3A_339 = arith.constant 2 : i32
    %dma_start3A_340 = arith.constant 0 : i32
    %dma_start3A_341 = tpu.memref_slice %arg3[%dma_start3A_339, %add3A_338, %dma_start3A_340] : memref<4x8192x1024xf32, #tpu.memory_space<hbm>> -> memref<1x32x1024xf32, #tpu.memory_space<hbm>>
    %dma_start3A_342 = tpu.memref_squeeze %dma_start3A_341 : memref<1x32x1024xf32, #tpu.memory_space<hbm>> -> memref<32x1024xf32, #tpu.memory_space<hbm>>
    %dma_start3A_343 = arith.constant 0 : i32
    %dma_start3A_344 = tpu.memref_slice %arg3[%dma_start3A_339, %add3A_338, %dma_start3A_343] : memref<4x8192x1024xf32, #tpu.memory_space<hbm>> -> memref<1x32x1024xf32, #tpu.memory_space<hbm>>
    %dma_start3A_345 = tpu.memref_squeeze %dma_start3A_344 : memref<1x32x1024xf32, #tpu.memory_space<hbm>> -> memref<32x1024xf32, #tpu.memory_space<hbm>>
    tpu.enqueue_dma source(%arg5 : memref<32x1024xf32, #tpu.memory_space<vmem>>) target(%dma_start3A_345 : memref<32x1024xf32, #tpu.memory_space<hbm>>) target_semaphore(%arg8 : memref<!tpu.dma_semaphore, #tpu.memory_space<semaphore_mem>>)
    %add3A_346 = arith.constant 128 : i32
    %add3A_347 = arith.addi %mul3A_2, %add3A_346 : i32
    %dma_start3A_348 = arith.constant 3 : i32
    %dma_start3A_349 = arith.constant 0 : i32
    %dma_start3A_350 = tpu.memref_slice %arg3[%dma_start3A_348, %add3A_347, %dma_start3A_349] : memref<4x8192x1024xf32, #tpu.memory_space<hbm>> -> memref<1x32x1024xf32, #tpu.memory_space<hbm>>
    %dma_start3A_351 = tpu.memref_squeeze %dma_start3A_350 : memref<1x32x1024xf32, #tpu.memory_space<hbm>> -> memref<32x1024xf32, #tpu.memory_space<hbm>>
    %dma_start3A_352 = arith.constant 0 : i32
    %dma_start3A_353 = tpu.memref_slice %arg3[%dma_start3A_348, %add3A_347, %dma_start3A_352] : memref<4x8192x1024xf32, #tpu.memory_space<hbm>> -> memref<1x32x1024xf32, #tpu.memory_space<hbm>>
    %dma_start3A_354 = tpu.memref_squeeze %dma_start3A_353 : memref<1x32x1024xf32, #tpu.memory_space<hbm>> -> memref<32x1024xf32, #tpu.memory_space<hbm>>
    tpu.enqueue_dma source(%arg5 : memref<32x1024xf32, #tpu.memory_space<vmem>>) target(%dma_start3A_354 : memref<32x1024xf32, #tpu.memory_space<hbm>>) target_semaphore(%arg8 : memref<!tpu.dma_semaphore, #tpu.memory_space<semaphore_mem>>)
    %dma_wait3A_355 = arith.constant 0 : i32
    %dma_wait3A_356 = arith.constant 0 : i32
    %dma_wait3A_357 = tpu.memref_slice %arg3[%dma_wait3A_355, %add3A_320, %dma_wait3A_356] : memref<4x8192x1024xf32, #tpu.memory_space<hbm>> -> memref<1x32x1024xf32, #tpu.memory_space<hbm>>
    %dma_wait3A_358 = tpu.memref_squeeze %dma_wait3A_357 : memref<1x32x1024xf32, #tpu.memory_space<hbm>> -> memref<32x1024xf32, #tpu.memory_space<hbm>>
    %dma_wait3A_359 = arith.constant 0 : i32
    %dma_wait3A_360 = tpu.memref_slice %arg3[%dma_wait3A_355, %add3A_320, %dma_wait3A_359] : memref<4x8192x1024xf32, #tpu.memory_space<hbm>> -> memref<1x32x1024xf32, #tpu.memory_space<hbm>>
    %dma_wait3A_361 = tpu.memref_squeeze %dma_wait3A_360 : memref<1x32x1024xf32, #tpu.memory_space<hbm>> -> memref<32x1024xf32, #tpu.memory_space<hbm>>
    tpu.wait_dma2 semaphore(%arg8 : memref<!tpu.dma_semaphore, #tpu.memory_space<semaphore_mem>>) src(%arg5 : memref<32x1024xf32, #tpu.memory_space<vmem>>) dst(%dma_wait3A_361 : memref<32x1024xf32, #tpu.memory_space<hbm>>)
    %dma_wait3A_362 = arith.constant 1 : i32
    %dma_wait3A_363 = arith.constant 0 : i32
    %dma_wait3A_364 = tpu.memref_slice %arg3[%dma_wait3A_362, %add3A_329, %dma_wait3A_363] : memref<4x8192x1024xf32, #tpu.memory_space<hbm>> -> memref<1x32x1024xf32, #tpu.memory_space<hbm>>
    %dma_wait3A_365 = tpu.memref_squeeze %dma_wait3A_364 : memref<1x32x1024xf32, #tpu.memory_space<hbm>> -> memref<32x1024xf32, #tpu.memory_space<hbm>>
    %dma_wait3A_366 = arith.constant 0 : i32
    %dma_wait3A_367 = tpu.memref_slice %arg3[%dma_wait3A_362, %add3A_329, %dma_wait3A_366] : memref<4x8192x1024xf32, #tpu.memory_space<hbm>> -> memref<1x32x1024xf32, #tpu.memory_space<hbm>>
    %dma_wait3A_368 = tpu.memref_squeeze %dma_wait3A_367 : memref<1x32x1024xf32, #tpu.memory_space<hbm>> -> memref<32x1024xf32, #tpu.memory_space<hbm>>
    tpu.wait_dma2 semaphore(%arg8 : memref<!tpu.dma_semaphore, #tpu.memory_space<semaphore_mem>>) src(%arg5 : memref<32x1024xf32, #tpu.memory_space<vmem>>) dst(%dma_wait3A_368 : memref<32x1024xf32, #tpu.memory_space<hbm>>)
    %dma_wait3A_369 = arith.constant 2 : i32
    %dma_wait3A_370 = arith.constant 0 : i32
    %dma_wait3A_371 = tpu.memref_slice %arg3[%dma_wait3A_369, %add3A_338, %dma_wait3A_370] : memref<4x8192x1024xf32, #tpu.memory_space<hbm>> -> memref<1x32x1024xf32, #tpu.memory_space<hbm>>
    %dma_wait3A_372 = tpu.memref_squeeze %dma_wait3A_371 : memref<1x32x1024xf32, #tpu.memory_space<hbm>> -> memref<32x1024xf32, #tpu.memory_space<hbm>>
    %dma_wait3A_373 = arith.constant 0 : i32
    %dma_wait3A_374 = tpu.memref_slice %arg3[%dma_wait3A_369, %add3A_338, %dma_wait3A_373] : memref<4x8192x1024xf32, #tpu.memory_space<hbm>> -> memref<1x32x1024xf32, #tpu.memory_space<hbm>>
    %dma_wait3A_375 = tpu.memref_squeeze %dma_wait3A_374 : memref<1x32x1024xf32, #tpu.memory_space<hbm>> -> memref<32x1024xf32, #tpu.memory_space<hbm>>
    tpu.wait_dma2 semaphore(%arg8 : memref<!tpu.dma_semaphore, #tpu.memory_space<semaphore_mem>>) src(%arg5 : memref<32x1024xf32, #tpu.memory_space<vmem>>) dst(%dma_wait3A_375 : memref<32x1024xf32, #tpu.memory_space<hbm>>)
    %dma_wait3A_376 = arith.constant 3 : i32
    %dma_wait3A_377 = arith.constant 0 : i32
    %dma_wait3A_378 = tpu.memref_slice %arg3[%dma_wait3A_376, %add3A_347, %dma_wait3A_377] : memref<4x8192x1024xf32, #tpu.memory_space<hbm>> -> memref<1x32x1024xf32, #tpu.memory_space<hbm>>
    %dma_wait3A_379 = tpu.memref_squeeze %dma_wait3A_378 : memref<1x32x1024xf32, #tpu.memory_space<hbm>> -> memref<32x1024xf32, #tpu.memory_space<hbm>>
    %dma_wait3A_380 = arith.constant 0 : i32
    %dma_wait3A_381 = tpu.memref_slice %arg3[%dma_wait3A_376, %add3A_347, %dma_wait3A_380] : memref<4x8192x1024xf32, #tpu.memory_space<hbm>> -> memref<1x32x1024xf32, #tpu.memory_space<hbm>>
    %dma_wait3A_382 = tpu.memref_squeeze %dma_wait3A_381 : memref<1x32x1024xf32, #tpu.memory_space<hbm>> -> memref<32x1024xf32, #tpu.memory_space<hbm>>
    tpu.wait_dma2 semaphore(%arg8 : memref<!tpu.dma_semaphore, #tpu.memory_space<semaphore_mem>>) src(%arg5 : memref<32x1024xf32, #tpu.memory_space<vmem>>) dst(%dma_wait3A_382 : memref<32x1024xf32, #tpu.memory_space<hbm>>)
    %add3A_383 = arith.constant 224 : i32
    %add3A_384 = arith.addi %mul3A_2, %add3A_383 : i32
    %dma_start3A_385 = arith.constant 0 : i32
    %dma_start3A_386 = tpu.memref_slice %arg2[%add3A_384, %dma_start3A_385] : memref<8192x1024xf32, #tpu.memory_space<hbm>> -> memref<32x1024xf32, #tpu.memory_space<hbm>>
    %dma_start3A_387 = arith.constant 0 : i32
    %dma_start3A_388 = tpu.memref_slice %arg2[%add3A_384, %dma_start3A_387] : memref<8192x1024xf32, #tpu.memory_space<hbm>> -> memref<32x1024xf32, #tpu.memory_space<hbm>>
    tpu.enqueue_dma source(%dma_start3A_388 : memref<32x1024xf32, #tpu.memory_space<hbm>>) target(%arg5 : memref<32x1024xf32, #tpu.memory_space<vmem>>) target_semaphore(%arg7 : memref<!tpu.dma_semaphore, #tpu.memory_space<semaphore_mem>>)
    %dma_wait3A_389 = arith.constant 0 : i32
    %dma_wait3A_390 = tpu.memref_slice %arg2[%add3A_236, %dma_wait3A_389] : memref<8192x1024xf32, #tpu.memory_space<hbm>> -> memref<32x1024xf32, #tpu.memory_space<hbm>>
    %dma_wait3A_391 = arith.constant 0 : i32
    %dma_wait3A_392 = tpu.memref_slice %arg2[%add3A_236, %dma_wait3A_391] : memref<8192x1024xf32, #tpu.memory_space<hbm>> -> memref<32x1024xf32, #tpu.memory_space<hbm>>
    tpu.wait_dma2 semaphore(%arg7 : memref<!tpu.dma_semaphore, #tpu.memory_space<semaphore_mem>>) src(%dma_wait3A_392 : memref<32x1024xf32, #tpu.memory_space<hbm>>) dst(%arg6 : memref<32x1024xf32, #tpu.memory_space<vmem>>)
    %add3A_393 = arith.constant 160 : i32
    %add3A_394 = arith.addi %mul3A_2, %add3A_393 : i32
    %dma_start3A_395 = arith.constant 0 : i32
    %dma_start3A_396 = arith.constant 0 : i32
    %dma_start3A_397 = tpu.memref_slice %arg3[%dma_start3A_395, %add3A_394, %dma_start3A_396] : memref<4x8192x1024xf32, #tpu.memory_space<hbm>> -> memref<1x32x1024xf32, #tpu.memory_space<hbm>>
    %dma_start3A_398 = tpu.memref_squeeze %dma_start3A_397 : memref<1x32x1024xf32, #tpu.memory_space<hbm>> -> memref<32x1024xf32, #tpu.memory_space<hbm>>
    %dma_start3A_399 = arith.constant 0 : i32
    %dma_start3A_400 = tpu.memref_slice %arg3[%dma_start3A_395, %add3A_394, %dma_start3A_399] : memref<4x8192x1024xf32, #tpu.memory_space<hbm>> -> memref<1x32x1024xf32, #tpu.memory_space<hbm>>
    %dma_start3A_401 = tpu.memref_squeeze %dma_start3A_400 : memref<1x32x1024xf32, #tpu.memory_space<hbm>> -> memref<32x1024xf32, #tpu.memory_space<hbm>>
    tpu.enqueue_dma source(%arg6 : memref<32x1024xf32, #tpu.memory_space<vmem>>) target(%dma_start3A_401 : memref<32x1024xf32, #tpu.memory_space<hbm>>) target_semaphore(%arg8 : memref<!tpu.dma_semaphore, #tpu.memory_space<semaphore_mem>>)
    %add3A_402 = arith.constant 160 : i32
    %add3A_403 = arith.addi %mul3A_2, %add3A_402 : i32
    %dma_start3A_404 = arith.constant 1 : i32
    %dma_start3A_405 = arith.constant 0 : i32
    %dma_start3A_406 = tpu.memref_slice %arg3[%dma_start3A_404, %add3A_403, %dma_start3A_405] : memref<4x8192x1024xf32, #tpu.memory_space<hbm>> -> memref<1x32x1024xf32, #tpu.memory_space<hbm>>
    %dma_start3A_407 = tpu.memref_squeeze %dma_start3A_406 : memref<1x32x1024xf32, #tpu.memory_space<hbm>> -> memref<32x1024xf32, #tpu.memory_space<hbm>>
    %dma_start3A_408 = arith.constant 0 : i32
    %dma_start3A_409 = tpu.memref_slice %arg3[%dma_start3A_404, %add3A_403, %dma_start3A_408] : memref<4x8192x1024xf32, #tpu.memory_space<hbm>> -> memref<1x32x1024xf32, #tpu.memory_space<hbm>>
    %dma_start3A_410 = tpu.memref_squeeze %dma_start3A_409 : memref<1x32x1024xf32, #tpu.memory_space<hbm>> -> memref<32x1024xf32, #tpu.memory_space<hbm>>
    tpu.enqueue_dma source(%arg6 : memref<32x1024xf32, #tpu.memory_space<vmem>>) target(%dma_start3A_410 : memref<32x1024xf32, #tpu.memory_space<hbm>>) target_semaphore(%arg8 : memref<!tpu.dma_semaphore, #tpu.memory_space<semaphore_mem>>)
    %add3A_411 = arith.constant 160 : i32
    %add3A_412 = arith.addi %mul3A_2, %add3A_411 : i32
    %dma_start3A_413 = arith.constant 2 : i32
    %dma_start3A_414 = arith.constant 0 : i32
    %dma_start3A_415 = tpu.memref_slice %arg3[%dma_start3A_413, %add3A_412, %dma_start3A_414] : memref<4x8192x1024xf32, #tpu.memory_space<hbm>> -> memref<1x32x1024xf32, #tpu.memory_space<hbm>>
    %dma_start3A_416 = tpu.memref_squeeze %dma_start3A_415 : memref<1x32x1024xf32, #tpu.memory_space<hbm>> -> memref<32x1024xf32, #tpu.memory_space<hbm>>
    %dma_start3A_417 = arith.constant 0 : i32
    %dma_start3A_418 = tpu.memref_slice %arg3[%dma_start3A_413, %add3A_412, %dma_start3A_417] : memref<4x8192x1024xf32, #tpu.memory_space<hbm>> -> memref<1x32x1024xf32, #tpu.memory_space<hbm>>
    %dma_start3A_419 = tpu.memref_squeeze %dma_start3A_418 : memref<1x32x1024xf32, #tpu.memory_space<hbm>> -> memref<32x1024xf32, #tpu.memory_space<hbm>>
    tpu.enqueue_dma source(%arg6 : memref<32x1024xf32, #tpu.memory_space<vmem>>) target(%dma_start3A_419 : memref<32x1024xf32, #tpu.memory_space<hbm>>) target_semaphore(%arg8 : memref<!tpu.dma_semaphore, #tpu.memory_space<semaphore_mem>>)
    %add3A_420 = arith.constant 160 : i32
    %add3A_421 = arith.addi %mul3A_2, %add3A_420 : i32
    %dma_start3A_422 = arith.constant 3 : i32
    %dma_start3A_423 = arith.constant 0 : i32
    %dma_start3A_424 = tpu.memref_slice %arg3[%dma_start3A_422, %add3A_421, %dma_start3A_423] : memref<4x8192x1024xf32, #tpu.memory_space<hbm>> -> memref<1x32x1024xf32, #tpu.memory_space<hbm>>
    %dma_start3A_425 = tpu.memref_squeeze %dma_start3A_424 : memref<1x32x1024xf32, #tpu.memory_space<hbm>> -> memref<32x1024xf32, #tpu.memory_space<hbm>>
    %dma_start3A_426 = arith.constant 0 : i32
    %dma_start3A_427 = tpu.memref_slice %arg3[%dma_start3A_422, %add3A_421, %dma_start3A_426] : memref<4x8192x1024xf32, #tpu.memory_space<hbm>> -> memref<1x32x1024xf32, #tpu.memory_space<hbm>>
    %dma_start3A_428 = tpu.memref_squeeze %dma_start3A_427 : memref<1x32x1024xf32, #tpu.memory_space<hbm>> -> memref<32x1024xf32, #tpu.memory_space<hbm>>
    tpu.enqueue_dma source(%arg6 : memref<32x1024xf32, #tpu.memory_space<vmem>>) target(%dma_start3A_428 : memref<32x1024xf32, #tpu.memory_space<hbm>>) target_semaphore(%arg8 : memref<!tpu.dma_semaphore, #tpu.memory_space<semaphore_mem>>)
    %dma_wait3A_429 = arith.constant 0 : i32
    %dma_wait3A_430 = tpu.memref_slice %arg2[%add3A_310, %dma_wait3A_429] : memref<8192x1024xf32, #tpu.memory_space<hbm>> -> memref<32x1024xf32, #tpu.memory_space<hbm>>
    %dma_wait3A_431 = arith.constant 0 : i32
    %dma_wait3A_432 = tpu.memref_slice %arg2[%add3A_310, %dma_wait3A_431] : memref<8192x1024xf32, #tpu.memory_space<hbm>> -> memref<32x1024xf32, #tpu.memory_space<hbm>>
    tpu.wait_dma2 semaphore(%arg7 : memref<!tpu.dma_semaphore, #tpu.memory_space<semaphore_mem>>) src(%dma_wait3A_432 : memref<32x1024xf32, #tpu.memory_space<hbm>>) dst(%arg4 : memref<32x1024xf32, #tpu.memory_space<vmem>>)
    %add3A_433 = arith.constant 192 : i32
    %add3A_434 = arith.addi %mul3A_2, %add3A_433 : i32
    %dma_start3A_435 = arith.constant 0 : i32
    %dma_start3A_436 = arith.constant 0 : i32
    %dma_start3A_437 = tpu.memref_slice %arg3[%dma_start3A_435, %add3A_434, %dma_start3A_436] : memref<4x8192x1024xf32, #tpu.memory_space<hbm>> -> memref<1x32x1024xf32, #tpu.memory_space<hbm>>
    %dma_start3A_438 = tpu.memref_squeeze %dma_start3A_437 : memref<1x32x1024xf32, #tpu.memory_space<hbm>> -> memref<32x1024xf32, #tpu.memory_space<hbm>>
    %dma_start3A_439 = arith.constant 0 : i32
    %dma_start3A_440 = tpu.memref_slice %arg3[%dma_start3A_435, %add3A_434, %dma_start3A_439] : memref<4x8192x1024xf32, #tpu.memory_space<hbm>> -> memref<1x32x1024xf32, #tpu.memory_space<hbm>>
    %dma_start3A_441 = tpu.memref_squeeze %dma_start3A_440 : memref<1x32x1024xf32, #tpu.memory_space<hbm>> -> memref<32x1024xf32, #tpu.memory_space<hbm>>
    tpu.enqueue_dma source(%arg4 : memref<32x1024xf32, #tpu.memory_space<vmem>>) target(%dma_start3A_441 : memref<32x1024xf32, #tpu.memory_space<hbm>>) target_semaphore(%arg8 : memref<!tpu.dma_semaphore, #tpu.memory_space<semaphore_mem>>)
    %add3A_442 = arith.constant 192 : i32
    %add3A_443 = arith.addi %mul3A_2, %add3A_442 : i32
    %dma_start3A_444 = arith.constant 1 : i32
    %dma_start3A_445 = arith.constant 0 : i32
    %dma_start3A_446 = tpu.memref_slice %arg3[%dma_start3A_444, %add3A_443, %dma_start3A_445] : memref<4x8192x1024xf32, #tpu.memory_space<hbm>> -> memref<1x32x1024xf32, #tpu.memory_space<hbm>>
    %dma_start3A_447 = tpu.memref_squeeze %dma_start3A_446 : memref<1x32x1024xf32, #tpu.memory_space<hbm>> -> memref<32x1024xf32, #tpu.memory_space<hbm>>
    %dma_start3A_448 = arith.constant 0 : i32
    %dma_start3A_449 = tpu.memref_slice %arg3[%dma_start3A_444, %add3A_443, %dma_start3A_448] : memref<4x8192x1024xf32, #tpu.memory_space<hbm>> -> memref<1x32x1024xf32, #tpu.memory_space<hbm>>
    %dma_start3A_450 = tpu.memref_squeeze %dma_start3A_449 : memref<1x32x1024xf32, #tpu.memory_space<hbm>> -> memref<32x1024xf32, #tpu.memory_space<hbm>>
    tpu.enqueue_dma source(%arg4 : memref<32x1024xf32, #tpu.memory_space<vmem>>) target(%dma_start3A_450 : memref<32x1024xf32, #tpu.memory_space<hbm>>) target_semaphore(%arg8 : memref<!tpu.dma_semaphore, #tpu.memory_space<semaphore_mem>>)
    %add3A_451 = arith.constant 192 : i32
    %add3A_452 = arith.addi %mul3A_2, %add3A_451 : i32
    %dma_start3A_453 = arith.constant 2 : i32
    %dma_start3A_454 = arith.constant 0 : i32
    %dma_start3A_455 = tpu.memref_slice %arg3[%dma_start3A_453, %add3A_452, %dma_start3A_454] : memref<4x8192x1024xf32, #tpu.memory_space<hbm>> -> memref<1x32x1024xf32, #tpu.memory_space<hbm>>
    %dma_start3A_456 = tpu.memref_squeeze %dma_start3A_455 : memref<1x32x1024xf32, #tpu.memory_space<hbm>> -> memref<32x1024xf32, #tpu.memory_space<hbm>>
    %dma_start3A_457 = arith.constant 0 : i32
    %dma_start3A_458 = tpu.memref_slice %arg3[%dma_start3A_453, %add3A_452, %dma_start3A_457] : memref<4x8192x1024xf32, #tpu.memory_space<hbm>> -> memref<1x32x1024xf32, #tpu.memory_space<hbm>>
    %dma_start3A_459 = tpu.memref_squeeze %dma_start3A_458 : memref<1x32x1024xf32, #tpu.memory_space<hbm>> -> memref<32x1024xf32, #tpu.memory_space<hbm>>
    tpu.enqueue_dma source(%arg4 : memref<32x1024xf32, #tpu.memory_space<vmem>>) target(%dma_start3A_459 : memref<32x1024xf32, #tpu.memory_space<hbm>>) target_semaphore(%arg8 : memref<!tpu.dma_semaphore, #tpu.memory_space<semaphore_mem>>)
    %add3A_460 = arith.constant 192 : i32
    %add3A_461 = arith.addi %mul3A_2, %add3A_460 : i32
    %dma_start3A_462 = arith.constant 3 : i32
    %dma_start3A_463 = arith.constant 0 : i32
    %dma_start3A_464 = tpu.memref_slice %arg3[%dma_start3A_462, %add3A_461, %dma_start3A_463] : memref<4x8192x1024xf32, #tpu.memory_space<hbm>> -> memref<1x32x1024xf32, #tpu.memory_space<hbm>>
    %dma_start3A_465 = tpu.memref_squeeze %dma_start3A_464 : memref<1x32x1024xf32, #tpu.memory_space<hbm>> -> memref<32x1024xf32, #tpu.memory_space<hbm>>
    %dma_start3A_466 = arith.constant 0 : i32
    %dma_start3A_467 = tpu.memref_slice %arg3[%dma_start3A_462, %add3A_461, %dma_start3A_466] : memref<4x8192x1024xf32, #tpu.memory_space<hbm>> -> memref<1x32x1024xf32, #tpu.memory_space<hbm>>
    %dma_start3A_468 = tpu.memref_squeeze %dma_start3A_467 : memref<1x32x1024xf32, #tpu.memory_space<hbm>> -> memref<32x1024xf32, #tpu.memory_space<hbm>>
    tpu.enqueue_dma source(%arg4 : memref<32x1024xf32, #tpu.memory_space<vmem>>) target(%dma_start3A_468 : memref<32x1024xf32, #tpu.memory_space<hbm>>) target_semaphore(%arg8 : memref<!tpu.dma_semaphore, #tpu.memory_space<semaphore_mem>>)
    %dma_wait3A_469 = arith.constant 0 : i32
    %dma_wait3A_470 = tpu.memref_slice %arg2[%add3A_384, %dma_wait3A_469] : memref<8192x1024xf32, #tpu.memory_space<hbm>> -> memref<32x1024xf32, #tpu.memory_space<hbm>>
    %dma_wait3A_471 = arith.constant 0 : i32
    %dma_wait3A_472 = tpu.memref_slice %arg2[%add3A_384, %dma_wait3A_471] : memref<8192x1024xf32, #tpu.memory_space<hbm>> -> memref<32x1024xf32, #tpu.memory_space<hbm>>
    tpu.wait_dma2 semaphore(%arg7 : memref<!tpu.dma_semaphore, #tpu.memory_space<semaphore_mem>>) src(%dma_wait3A_472 : memref<32x1024xf32, #tpu.memory_space<hbm>>) dst(%arg5 : memref<32x1024xf32, #tpu.memory_space<vmem>>)
    %add3A_473 = arith.constant 224 : i32
    %add3A_474 = arith.addi %mul3A_2, %add3A_473 : i32
    %dma_start3A_475 = arith.constant 0 : i32
    %dma_start3A_476 = arith.constant 0 : i32
    %dma_start3A_477 = tpu.memref_slice %arg3[%dma_start3A_475, %add3A_474, %dma_start3A_476] : memref<4x8192x1024xf32, #tpu.memory_space<hbm>> -> memref<1x32x1024xf32, #tpu.memory_space<hbm>>
    %dma_start3A_478 = tpu.memref_squeeze %dma_start3A_477 : memref<1x32x1024xf32, #tpu.memory_space<hbm>> -> memref<32x1024xf32, #tpu.memory_space<hbm>>
    %dma_start3A_479 = arith.constant 0 : i32
    %dma_start3A_480 = tpu.memref_slice %arg3[%dma_start3A_475, %add3A_474, %dma_start3A_479] : memref<4x8192x1024xf32, #tpu.memory_space<hbm>> -> memref<1x32x1024xf32, #tpu.memory_space<hbm>>
    %dma_start3A_481 = tpu.memref_squeeze %dma_start3A_480 : memref<1x32x1024xf32, #tpu.memory_space<hbm>> -> memref<32x1024xf32, #tpu.memory_space<hbm>>
    tpu.enqueue_dma source(%arg5 : memref<32x1024xf32, #tpu.memory_space<vmem>>) target(%dma_start3A_481 : memref<32x1024xf32, #tpu.memory_space<hbm>>) target_semaphore(%arg8 : memref<!tpu.dma_semaphore, #tpu.memory_space<semaphore_mem>>)
    %add3A_482 = arith.constant 224 : i32
    %add3A_483 = arith.addi %mul3A_2, %add3A_482 : i32
    %dma_start3A_484 = arith.constant 1 : i32
    %dma_start3A_485 = arith.constant 0 : i32
    %dma_start3A_486 = tpu.memref_slice %arg3[%dma_start3A_484, %add3A_483, %dma_start3A_485] : memref<4x8192x1024xf32, #tpu.memory_space<hbm>> -> memref<1x32x1024xf32, #tpu.memory_space<hbm>>
    %dma_start3A_487 = tpu.memref_squeeze %dma_start3A_486 : memref<1x32x1024xf32, #tpu.memory_space<hbm>> -> memref<32x1024xf32, #tpu.memory_space<hbm>>
    %dma_start3A_488 = arith.constant 0 : i32
    %dma_start3A_489 = tpu.memref_slice %arg3[%dma_start3A_484, %add3A_483, %dma_start3A_488] : memref<4x8192x1024xf32, #tpu.memory_space<hbm>> -> memref<1x32x1024xf32, #tpu.memory_space<hbm>>
    %dma_start3A_490 = tpu.memref_squeeze %dma_start3A_489 : memref<1x32x1024xf32, #tpu.memory_space<hbm>> -> memref<32x1024xf32, #tpu.memory_space<hbm>>
    tpu.enqueue_dma source(%arg5 : memref<32x1024xf32, #tpu.memory_space<vmem>>) target(%dma_start3A_490 : memref<32x1024xf32, #tpu.memory_space<hbm>>) target_semaphore(%arg8 : memref<!tpu.dma_semaphore, #tpu.memory_space<semaphore_mem>>)
    %add3A_491 = arith.constant 224 : i32
    %add3A_492 = arith.addi %mul3A_2, %add3A_491 : i32
    %dma_start3A_493 = arith.constant 2 : i32
    %dma_start3A_494 = arith.constant 0 : i32
    %dma_start3A_495 = tpu.memref_slice %arg3[%dma_start3A_493, %add3A_492, %dma_start3A_494] : memref<4x8192x1024xf32, #tpu.memory_space<hbm>> -> memref<1x32x1024xf32, #tpu.memory_space<hbm>>
    %dma_start3A_496 = tpu.memref_squeeze %dma_start3A_495 : memref<1x32x1024xf32, #tpu.memory_space<hbm>> -> memref<32x1024xf32, #tpu.memory_space<hbm>>
    %dma_start3A_497 = arith.constant 0 : i32
    %dma_start3A_498 = tpu.memref_slice %arg3[%dma_start3A_493, %add3A_492, %dma_start3A_497] : memref<4x8192x1024xf32, #tpu.memory_space<hbm>> -> memref<1x32x1024xf32, #tpu.memory_space<hbm>>
    %dma_start3A_499 = tpu.memref_squeeze %dma_start3A_498 : memref<1x32x1024xf32, #tpu.memory_space<hbm>> -> memref<32x1024xf32, #tpu.memory_space<hbm>>
    tpu.enqueue_dma source(%arg5 : memref<32x1024xf32, #tpu.memory_space<vmem>>) target(%dma_start3A_499 : memref<32x1024xf32, #tpu.memory_space<hbm>>) target_semaphore(%arg8 : memref<!tpu.dma_semaphore, #tpu.memory_space<semaphore_mem>>)
    %add3A_500 = arith.constant 224 : i32
    %add3A_501 = arith.addi %mul3A_2, %add3A_500 : i32
    %dma_start3A_502 = arith.constant 3 : i32
    %dma_start3A_503 = arith.constant 0 : i32
    %dma_start3A_504 = tpu.memref_slice %arg3[%dma_start3A_502, %add3A_501, %dma_start3A_503] : memref<4x8192x1024xf32, #tpu.memory_space<hbm>> -> memref<1x32x1024xf32, #tpu.memory_space<hbm>>
    %dma_start3A_505 = tpu.memref_squeeze %dma_start3A_504 : memref<1x32x1024xf32, #tpu.memory_space<hbm>> -> memref<32x1024xf32, #tpu.memory_space<hbm>>
    %dma_start3A_506 = arith.constant 0 : i32
    %dma_start3A_507 = tpu.memref_slice %arg3[%dma_start3A_502, %add3A_501, %dma_start3A_506] : memref<4x8192x1024xf32, #tpu.memory_space<hbm>> -> memref<1x32x1024xf32, #tpu.memory_space<hbm>>
    %dma_start3A_508 = tpu.memref_squeeze %dma_start3A_507 : memref<1x32x1024xf32, #tpu.memory_space<hbm>> -> memref<32x1024xf32, #tpu.memory_space<hbm>>
    tpu.enqueue_dma source(%arg5 : memref<32x1024xf32, #tpu.memory_space<vmem>>) target(%dma_start3A_508 : memref<32x1024xf32, #tpu.memory_space<hbm>>) target_semaphore(%arg8 : memref<!tpu.dma_semaphore, #tpu.memory_space<semaphore_mem>>)
    %dma_wait3A_509 = arith.constant 0 : i32
    %dma_wait3A_510 = arith.constant 0 : i32
    %dma_wait3A_511 = tpu.memref_slice %arg3[%dma_wait3A_509, %add3A_394, %dma_wait3A_510] : memref<4x8192x1024xf32, #tpu.memory_space<hbm>> -> memref<1x32x1024xf32, #tpu.memory_space<hbm>>
    %dma_wait3A_512 = tpu.memref_squeeze %dma_wait3A_511 : memref<1x32x1024xf32, #tpu.memory_space<hbm>> -> memref<32x1024xf32, #tpu.memory_space<hbm>>
    %dma_wait3A_513 = arith.constant 0 : i32
    %dma_wait3A_514 = tpu.memref_slice %arg3[%dma_wait3A_509, %add3A_394, %dma_wait3A_513] : memref<4x8192x1024xf32, #tpu.memory_space<hbm>> -> memref<1x32x1024xf32, #tpu.memory_space<hbm>>
    %dma_wait3A_515 = tpu.memref_squeeze %dma_wait3A_514 : memref<1x32x1024xf32, #tpu.memory_space<hbm>> -> memref<32x1024xf32, #tpu.memory_space<hbm>>
    tpu.wait_dma2 semaphore(%arg8 : memref<!tpu.dma_semaphore, #tpu.memory_space<semaphore_mem>>) src(%arg6 : memref<32x1024xf32, #tpu.memory_space<vmem>>) dst(%dma_wait3A_515 : memref<32x1024xf32, #tpu.memory_space<hbm>>)
    %dma_wait3A_516 = arith.constant 1 : i32
    %dma_wait3A_517 = arith.constant 0 : i32
    %dma_wait3A_518 = tpu.memref_slice %arg3[%dma_wait3A_516, %add3A_403, %dma_wait3A_517] : memref<4x8192x1024xf32, #tpu.memory_space<hbm>> -> memref<1x32x1024xf32, #tpu.memory_space<hbm>>
    %dma_wait3A_519 = tpu.memref_squeeze %dma_wait3A_518 : memref<1x32x1024xf32, #tpu.memory_space<hbm>> -> memref<32x1024xf32, #tpu.memory_space<hbm>>
    %dma_wait3A_520 = arith.constant 0 : i32
    %dma_wait3A_521 = tpu.memref_slice %arg3[%dma_wait3A_516, %add3A_403, %dma_wait3A_520] : memref<4x8192x1024xf32, #tpu.memory_space<hbm>> -> memref<1x32x1024xf32, #tpu.memory_space<hbm>>
    %dma_wait3A_522 = tpu.memref_squeeze %dma_wait3A_521 : memref<1x32x1024xf32, #tpu.memory_space<hbm>> -> memref<32x1024xf32, #tpu.memory_space<hbm>>
    tpu.wait_dma2 semaphore(%arg8 : memref<!tpu.dma_semaphore, #tpu.memory_space<semaphore_mem>>) src(%arg6 : memref<32x1024xf32, #tpu.memory_space<vmem>>) dst(%dma_wait3A_522 : memref<32x1024xf32, #tpu.memory_space<hbm>>)
    %dma_wait3A_523 = arith.constant 2 : i32
    %dma_wait3A_524 = arith.constant 0 : i32
    %dma_wait3A_525 = tpu.memref_slice %arg3[%dma_wait3A_523, %add3A_412, %dma_wait3A_524] : memref<4x8192x1024xf32, #tpu.memory_space<hbm>> -> memref<1x32x1024xf32, #tpu.memory_space<hbm>>
    %dma_wait3A_526 = tpu.memref_squeeze %dma_wait3A_525 : memref<1x32x1024xf32, #tpu.memory_space<hbm>> -> memref<32x1024xf32, #tpu.memory_space<hbm>>
    %dma_wait3A_527 = arith.constant 0 : i32
    %dma_wait3A_528 = tpu.memref_slice %arg3[%dma_wait3A_523, %add3A_412, %dma_wait3A_527] : memref<4x8192x1024xf32, #tpu.memory_space<hbm>> -> memref<1x32x1024xf32, #tpu.memory_space<hbm>>
    %dma_wait3A_529 = tpu.memref_squeeze %dma_wait3A_528 : memref<1x32x1024xf32, #tpu.memory_space<hbm>> -> memref<32x1024xf32, #tpu.memory_space<hbm>>
    tpu.wait_dma2 semaphore(%arg8 : memref<!tpu.dma_semaphore, #tpu.memory_space<semaphore_mem>>) src(%arg6 : memref<32x1024xf32, #tpu.memory_space<vmem>>) dst(%dma_wait3A_529 : memref<32x1024xf32, #tpu.memory_space<hbm>>)
    %dma_wait3A_530 = arith.constant 3 : i32
    %dma_wait3A_531 = arith.constant 0 : i32
    %dma_wait3A_532 = tpu.memref_slice %arg3[%dma_wait3A_530, %add3A_421, %dma_wait3A_531] : memref<4x8192x1024xf32, #tpu.memory_space<hbm>> -> memref<1x32x1024xf32, #tpu.memory_space<hbm>>
    %dma_wait3A_533 = tpu.memref_squeeze %dma_wait3A_532 : memref<1x32x1024xf32, #tpu.memory_space<hbm>> -> memref<32x1024xf32, #tpu.memory_space<hbm>>
    %dma_wait3A_534 = arith.constant 0 : i32
    %dma_wait3A_535 = tpu.memref_slice %arg3[%dma_wait3A_530, %add3A_421, %dma_wait3A_534] : memref<4x8192x1024xf32, #tpu.memory_space<hbm>> -> memref<1x32x1024xf32, #tpu.memory_space<hbm>>
    %dma_wait3A_536 = tpu.memref_squeeze %dma_wait3A_535 : memref<1x32x1024xf32, #tpu.memory_space<hbm>> -> memref<32x1024xf32, #tpu.memory_space<hbm>>
    tpu.wait_dma2 semaphore(%arg8 : memref<!tpu.dma_semaphore, #tpu.memory_space<semaphore_mem>>) src(%arg6 : memref<32x1024xf32, #tpu.memory_space<vmem>>) dst(%dma_wait3A_536 : memref<32x1024xf32, #tpu.memory_space<hbm>>)
    %dma_wait3A_537 = arith.constant 0 : i32
    %dma_wait3A_538 = arith.constant 0 : i32
    %dma_wait3A_539 = tpu.memref_slice %arg3[%dma_wait3A_537, %add3A_434, %dma_wait3A_538] : memref<4x8192x1024xf32, #tpu.memory_space<hbm>> -> memref<1x32x1024xf32, #tpu.memory_space<hbm>>
    %dma_wait3A_540 = tpu.memref_squeeze %dma_wait3A_539 : memref<1x32x1024xf32, #tpu.memory_space<hbm>> -> memref<32x1024xf32, #tpu.memory_space<hbm>>
    %dma_wait3A_541 = arith.constant 0 : i32
    %dma_wait3A_542 = tpu.memref_slice %arg3[%dma_wait3A_537, %add3A_434, %dma_wait3A_541] : memref<4x8192x1024xf32, #tpu.memory_space<hbm>> -> memref<1x32x1024xf32, #tpu.memory_space<hbm>>
    %dma_wait3A_543 = tpu.memref_squeeze %dma_wait3A_542 : memref<1x32x1024xf32, #tpu.memory_space<hbm>> -> memref<32x1024xf32, #tpu.memory_space<hbm>>
    tpu.wait_dma2 semaphore(%arg8 : memref<!tpu.dma_semaphore, #tpu.memory_space<semaphore_mem>>) src(%arg4 : memref<32x1024xf32, #tpu.memory_space<vmem>>) dst(%dma_wait3A_543 : memref<32x1024xf32, #tpu.memory_space<hbm>>)
    %dma_wait3A_544 = arith.constant 1 : i32
    %dma_wait3A_545 = arith.constant 0 : i32
    %dma_wait3A_546 = tpu.memref_slice %arg3[%dma_wait3A_544, %add3A_443, %dma_wait3A_545] : memref<4x8192x1024xf32, #tpu.memory_space<hbm>> -> memref<1x32x1024xf32, #tpu.memory_space<hbm>>
    %dma_wait3A_547 = tpu.memref_squeeze %dma_wait3A_546 : memref<1x32x1024xf32, #tpu.memory_space<hbm>> -> memref<32x1024xf32, #tpu.memory_space<hbm>>
    %dma_wait3A_548 = arith.constant 0 : i32
    %dma_wait3A_549 = tpu.memref_slice %arg3[%dma_wait3A_544, %add3A_443, %dma_wait3A_548] : memref<4x8192x1024xf32, #tpu.memory_space<hbm>> -> memref<1x32x1024xf32, #tpu.memory_space<hbm>>
    %dma_wait3A_550 = tpu.memref_squeeze %dma_wait3A_549 : memref<1x32x1024xf32, #tpu.memory_space<hbm>> -> memref<32x1024xf32, #tpu.memory_space<hbm>>
    tpu.wait_dma2 semaphore(%arg8 : memref<!tpu.dma_semaphore, #tpu.memory_space<semaphore_mem>>) src(%arg4 : memref<32x1024xf32, #tpu.memory_space<vmem>>) dst(%dma_wait3A_550 : memref<32x1024xf32, #tpu.memory_space<hbm>>)
    %dma_wait3A_551 = arith.constant 2 : i32
    %dma_wait3A_552 = arith.constant 0 : i32
    %dma_wait3A_553 = tpu.memref_slice %arg3[%dma_wait3A_551, %add3A_452, %dma_wait3A_552] : memref<4x8192x1024xf32, #tpu.memory_space<hbm>> -> memref<1x32x1024xf32, #tpu.memory_space<hbm>>
    %dma_wait3A_554 = tpu.memref_squeeze %dma_wait3A_553 : memref<1x32x1024xf32, #tpu.memory_space<hbm>> -> memref<32x1024xf32, #tpu.memory_space<hbm>>
    %dma_wait3A_555 = arith.constant 0 : i32
    %dma_wait3A_556 = tpu.memref_slice %arg3[%dma_wait3A_551, %add3A_452, %dma_wait3A_555] : memref<4x8192x1024xf32, #tpu.memory_space<hbm>> -> memref<1x32x1024xf32, #tpu.memory_space<hbm>>
    %dma_wait3A_557 = tpu.memref_squeeze %dma_wait3A_556 : memref<1x32x1024xf32, #tpu.memory_space<hbm>> -> memref<32x1024xf32, #tpu.memory_space<hbm>>
    tpu.wait_dma2 semaphore(%arg8 : memref<!tpu.dma_semaphore, #tpu.memory_space<semaphore_mem>>) src(%arg4 : memref<32x1024xf32, #tpu.memory_space<vmem>>) dst(%dma_wait3A_557 : memref<32x1024xf32, #tpu.memory_space<hbm>>)
    %dma_wait3A_558 = arith.constant 3 : i32
    %dma_wait3A_559 = arith.constant 0 : i32
    %dma_wait3A_560 = tpu.memref_slice %arg3[%dma_wait3A_558, %add3A_461, %dma_wait3A_559] : memref<4x8192x1024xf32, #tpu.memory_space<hbm>> -> memref<1x32x1024xf32, #tpu.memory_space<hbm>>
    %dma_wait3A_561 = tpu.memref_squeeze %dma_wait3A_560 : memref<1x32x1024xf32, #tpu.memory_space<hbm>> -> memref<32x1024xf32, #tpu.memory_space<hbm>>
    %dma_wait3A_562 = arith.constant 0 : i32
    %dma_wait3A_563 = tpu.memref_slice %arg3[%dma_wait3A_558, %add3A_461, %dma_wait3A_562] : memref<4x8192x1024xf32, #tpu.memory_space<hbm>> -> memref<1x32x1024xf32, #tpu.memory_space<hbm>>
    %dma_wait3A_564 = tpu.memref_squeeze %dma_wait3A_563 : memref<1x32x1024xf32, #tpu.memory_space<hbm>> -> memref<32x1024xf32, #tpu.memory_space<hbm>>
    tpu.wait_dma2 semaphore(%arg8 : memref<!tpu.dma_semaphore, #tpu.memory_space<semaphore_mem>>) src(%arg4 : memref<32x1024xf32, #tpu.memory_space<vmem>>) dst(%dma_wait3A_564 : memref<32x1024xf32, #tpu.memory_space<hbm>>)
    %dma_wait3A_565 = arith.constant 0 : i32
    %dma_wait3A_566 = arith.constant 0 : i32
    %dma_wait3A_567 = tpu.memref_slice %arg3[%dma_wait3A_565, %add3A_474, %dma_wait3A_566] : memref<4x8192x1024xf32, #tpu.memory_space<hbm>> -> memref<1x32x1024xf32, #tpu.memory_space<hbm>>
    %dma_wait3A_568 = tpu.memref_squeeze %dma_wait3A_567 : memref<1x32x1024xf32, #tpu.memory_space<hbm>> -> memref<32x1024xf32, #tpu.memory_space<hbm>>
    %dma_wait3A_569 = arith.constant 0 : i32
    %dma_wait3A_570 = tpu.memref_slice %arg3[%dma_wait3A_565, %add3A_474, %dma_wait3A_569] : memref<4x8192x1024xf32, #tpu.memory_space<hbm>> -> memref<1x32x1024xf32, #tpu.memory_space<hbm>>
    %dma_wait3A_571 = tpu.memref_squeeze %dma_wait3A_570 : memref<1x32x1024xf32, #tpu.memory_space<hbm>> -> memref<32x1024xf32, #tpu.memory_space<hbm>>
    tpu.wait_dma2 semaphore(%arg8 : memref<!tpu.dma_semaphore, #tpu.memory_space<semaphore_mem>>) src(%arg5 : memref<32x1024xf32, #tpu.memory_space<vmem>>) dst(%dma_wait3A_571 : memref<32x1024xf32, #tpu.memory_space<hbm>>)
    %dma_wait3A_572 = arith.constant 1 : i32
    %dma_wait3A_573 = arith.constant 0 : i32
    %dma_wait3A_574 = tpu.memref_slice %arg3[%dma_wait3A_572, %add3A_483, %dma_wait3A_573] : memref<4x8192x1024xf32, #tpu.memory_space<hbm>> -> memref<1x32x1024xf32, #tpu.memory_space<hbm>>
    %dma_wait3A_575 = tpu.memref_squeeze %dma_wait3A_574 : memref<1x32x1024xf32, #tpu.memory_space<hbm>> -> memref<32x1024xf32, #tpu.memory_space<hbm>>
    %dma_wait3A_576 = arith.constant 0 : i32
    %dma_wait3A_577 = tpu.memref_slice %arg3[%dma_wait3A_572, %add3A_483, %dma_wait3A_576] : memref<4x8192x1024xf32, #tpu.memory_space<hbm>> -> memref<1x32x1024xf32, #tpu.memory_space<hbm>>
    %dma_wait3A_578 = tpu.memref_squeeze %dma_wait3A_577 : memref<1x32x1024xf32, #tpu.memory_space<hbm>> -> memref<32x1024xf32, #tpu.memory_space<hbm>>
    tpu.wait_dma2 semaphore(%arg8 : memref<!tpu.dma_semaphore, #tpu.memory_space<semaphore_mem>>) src(%arg5 : memref<32x1024xf32, #tpu.memory_space<vmem>>) dst(%dma_wait3A_578 : memref<32x1024xf32, #tpu.memory_space<hbm>>)
    %dma_wait3A_579 = arith.constant 2 : i32
    %dma_wait3A_580 = arith.constant 0 : i32
    %dma_wait3A_581 = tpu.memref_slice %arg3[%dma_wait3A_579, %add3A_492, %dma_wait3A_580] : memref<4x8192x1024xf32, #tpu.memory_space<hbm>> -> memref<1x32x1024xf32, #tpu.memory_space<hbm>>
    %dma_wait3A_582 = tpu.memref_squeeze %dma_wait3A_581 : memref<1x32x1024xf32, #tpu.memory_space<hbm>> -> memref<32x1024xf32, #tpu.memory_space<hbm>>
    %dma_wait3A_583 = arith.constant 0 : i32
    %dma_wait3A_584 = tpu.memref_slice %arg3[%dma_wait3A_579, %add3A_492, %dma_wait3A_583] : memref<4x8192x1024xf32, #tpu.memory_space<hbm>> -> memref<1x32x1024xf32, #tpu.memory_space<hbm>>
    %dma_wait3A_585 = tpu.memref_squeeze %dma_wait3A_584 : memref<1x32x1024xf32, #tpu.memory_space<hbm>> -> memref<32x1024xf32, #tpu.memory_space<hbm>>
    tpu.wait_dma2 semaphore(%arg8 : memref<!tpu.dma_semaphore, #tpu.memory_space<semaphore_mem>>) src(%arg5 : memref<32x1024xf32, #tpu.memory_space<vmem>>) dst(%dma_wait3A_585 : memref<32x1024xf32, #tpu.memory_space<hbm>>)
    %dma_wait3A_586 = arith.constant 3 : i32
    %dma_wait3A_587 = arith.constant 0 : i32
    %dma_wait3A_588 = tpu.memref_slice %arg3[%dma_wait3A_586, %add3A_501, %dma_wait3A_587] : memref<4x8192x1024xf32, #tpu.memory_space<hbm>> -> memref<1x32x1024xf32, #tpu.memory_space<hbm>>
    %dma_wait3A_589 = tpu.memref_squeeze %dma_wait3A_588 : memref<1x32x1024xf32, #tpu.memory_space<hbm>> -> memref<32x1024xf32, #tpu.memory_space<hbm>>
    %dma_wait3A_590 = arith.constant 0 : i32
    %dma_wait3A_591 = tpu.memref_slice %arg3[%dma_wait3A_586, %add3A_501, %dma_wait3A_590] : memref<4x8192x1024xf32, #tpu.memory_space<hbm>> -> memref<1x32x1024xf32, #tpu.memory_space<hbm>>
    %dma_wait3A_592 = tpu.memref_squeeze %dma_wait3A_591 : memref<1x32x1024xf32, #tpu.memory_space<hbm>> -> memref<32x1024xf32, #tpu.memory_space<hbm>>
    tpu.wait_dma2 semaphore(%arg8 : memref<!tpu.dma_semaphore, #tpu.memory_space<semaphore_mem>>) src(%arg5 : memref<32x1024xf32, #tpu.memory_space<vmem>>) dst(%dma_wait3A_592 : memref<32x1024xf32, #tpu.memory_space<hbm>>)
    return
  }
}

</mosaic_0001>

<sc_bundles>
// kernel: kernel.3.cloned.1.call-start
scs
__scs_entry_jumppad:
0x0: {  	(pc) =	sbr.rel $0x88, $3  }
0x1: {  	(tag) =	ssettag $0x0;
	lr =	simm.s32 $0x1  }
0x2: {  	[smem:$0x3FA0] =	sst lr;
	_ =	strace $0xD0000000  }
0x3: {  	_ = 	snop  }
0x4: {  	_ = 	snop  }
0x5: {  	_ = 	snop  }
0x6: {  	_ = 	snop  }
0x7: {  	_ = 	snop  }
__scs_overlays_trampoline_lowered:
0x8: {  	[smem:$0x3FAF] =	sst s0  }
0x9: {  	[smem:$0x3FB0] =	sst s1  }
0xa: {  	[smem:$0x3FB1] =	sst s2  }
0xb: {  	[smem:$0x3FB2] =	sst s3  }
0xc: {  	[smem:$0x3FB3] =	sst s4  }
0xd: {  	[smem:$0x3FB4] =	sst s5  }
0xe: {  	[smem:$0x3FB5] =	sst s6  }
0xf: {  	[smem:$0x3FB6] =	sst s7  }
0x10: {  	[smem:$0x3FB7] =	sst s8  }
0x11: {  	[smem:$0x3FB8] =	sst s9;
	s0 =	simm.s32 @!p0 $0x0  }
0x12: {  	s1 =	sld [smem:$0x3F9E];
	s0 =	simm.s32 @p0 $0x1  }
0x13: {  	[smem:$0x3FB9] =	sst s0;
	s0 =	simm.s32 @!p1 $0x0  }
0x14: {  	s2 =	sld [smem:$0x3F9D];
	s0 =	simm.s32 @p1 $0x1  }
0x15: {  	[smem:$0x3FBA] =	sst s0;
	s0 =	simm.s32 @!p2 $0x0  }
0x16: {  	s3 =	sld [smem:$0x3FDB];
	s0 =	simm.s32 @p2 $0x1  }
0x17: {  	s4 =	simm.s32 $0x1BF5;
	[smem:$0x3FBC] =	sst s0  }
0x18: {  	s0 =	sld [smem:$0x3F9F];
	_ =	swait.ge [sflag:s4], $0x0  }
0x19: {  	s7 =	sld [smem:$0x3FA0]  }
0x1a: {  	s8 =	sadd.s32 $0xFFFFE003, lr  }
0x1b: {  	s9 =	sadd.s32 $0xFFFFFEF7, lr;
	s5 =	simm.s32 $0xFFFFFFFF;
	p2 =	slt.u32 s8, $0xFFFFF086  }
0x1c: {  	p1 =	slt.u32 s9, $0xF7A;
	s5 =	simm.s32 @!p2 $0x0  }
0x1d: {  	s5 =	simm.s32 @p1 $0x1;
	p0 =	seq.s32 s7, s2  }
0x1e: {  	s7 =	smul.u32 @!p0 $0xF7A, s2;
	p2 =	seq.s32 @!p0 s5, $0x0  }
0x1f: {  	s9 =	smul.u32 $0xF7A, s1;
	s8 =	simm.s32 @!p0 $0x1BF5;
	p2 =	por !p2, p0  }
0x20: {  	[sflag:s8] =	ssyncset.s32 @!p0 $0xFFFFF086;
	s6 =	sadd.s32 @!p0 s3, s7;
	s7 =	simm.s32 @!p0 $0x108  }
0x21: {  	s3 =	sadd.s32 s3, s9;
	s6 =	sadd.s32 @!p0 $0x88, s6;
	s7 =	simm.s32 @p2 $0x1082  }
0x22: {  	[simem:s7], [sflag:s8] =	dma.local @!p0 [hbm:s6], $0xF7A  }
0x23: {  	s9 =	sor.u32 $0xD0000000, s2;
	s6 =	simm.s32 $0x108;
	_ =	swait.ge @!p0 [sflag:s8], $0x0  }
0x24: {  	s3 =	sadd.s32 $0x88, s3;
	s6 =	simm.s32 @!p1 $0x1082;
	[sflag:s4] =	ssyncset.s32 $0xFFFFF086  }
0x25: {  	[simem:s6], [sflag:s4] =	dma.local [hbm:s3], $0xF7A  }
0x26: {  	[smem:$0x3FA0] =	sst s1;
	(tag) =	ssettag s2;
	_ =	strace s9  }
0x27: {  	s1 =	sld [smem:$0x3FB0]  }
0x28: {  	s2 =	sld [smem:$0x3FB1]  }
0x29: {  	s4 =	sld [smem:$0x3FB3]  }
0x2a: {  	p0 =	seq.s32 s5, $0x0;
	s5 =	sld [smem:$0x3FB4]  }
0x2b: {  	s6 =	sld [smem:$0x3FB5]  }
0x2c: {  	s7 =	sld [smem:$0x3FB6]  }
0x2d: {  	s3 =	simm.s32 $0x108;
	s8 =	sld [smem:$0x3FB7]  }
0x2e: {  	s3 =	simm.s32 @!p0 $0x1082;
	s9 =	sld [smem:$0x3FB8]  }
0x2f: {  	lr =	sadd.s32 s0, s3;
	s0 =	sld [smem:$0x3FAF]  }
0x30: {  	s3 =	sld [smem:$0x3FB2]  }
0x31: {  	[smem:$0x3FBB] =	sst s10  }
0x32: {  	s10 =	sld [smem:$0x3FB9];
	_ =	sdelay $0x3  }
0x33: {  	p0 =	seq.s32 s10, $0x1;
	s10 =	sld [smem:$0x3FBB];
	_ =	sdelay $0x3  }
0x34: {  	[smem:$0x3FBB] =	sst s10  }
0x35: {  	s10 =	sld [smem:$0x3FBA];
	_ =	sdelay $0x3  }
0x36: {  	p1 =	seq.s32 s10, $0x1;
	s10 =	sld [smem:$0x3FBB];
	_ =	sdelay $0x3  }
0x37: {  	[smem:$0x3FBB] =	sst s10  }
0x38: {  	s10 =	sld [smem:$0x3FBC]  }
0x39: {  	_ = 	snop;
	(pc) =	sbr.ind lr, $3  }
0x3a: {  	_ = 	snop  }
0x3b: {  	_ = 	snop  }
0x3c: {  	p2 =	seq.s32 s10, $0x1;
	s10 =	sld [smem:$0x3FBB]  }
0x3d: {  	_ =	shalt  }
0x3e: {  	_ =	shalt  }
0x3f: {  	_ =	shalt  }
0x40: {  	_ =	shalt  }
0x41: {  	_ =	shalt  }
0x42: {  	_ =	shalt  }
0x43: {  	_ =	shalt  }
0x44: {  	_ =	shalt  }
0x45: {  	_ =	shalt  }
0x46: {  	_ =	shalt  }
0x47: {  	_ =	shalt  }
0x48: {  	_ =	shalt  }
0x49: {  	_ =	shalt  }
0x4a: {  	_ =	shalt  }
0x4b: {  	_ =	shalt  }
0x4c: {  	_ =	shalt  }
0x4d: {  	_ =	shalt  }
0x4e: {  	_ =	shalt  }
0x4f: {  	_ =	shalt  }
0x50: {  	_ =	shalt  }
0x51: {  	_ =	shalt  }
0x52: {  	_ =	shalt  }
0x53: {  	_ =	shalt  }
0x54: {  	_ =	shalt  }
0x55: {  	_ =	shalt  }
0x56: {  	_ =	shalt  }
0x57: {  	_ =	shalt  }
0x58: {  	_ =	shalt  }
0x59: {  	_ =	shalt  }
0x5a: {  	_ =	shalt  }
0x5b: {  	_ =	shalt  }
0x5c: {  	_ =	shalt  }
0x5d: {  	_ =	shalt  }
0x5e: {  	_ =	shalt  }
0x5f: {  	_ =	shalt  }
0x60: {  	_ =	shalt  }
0x61: {  	_ =	shalt  }
0x62: {  	_ =	shalt  }
0x63: {  	_ =	shalt  }
0x64: {  	_ =	shalt  }
0x65: {  	_ =	shalt  }
0x66: {  	_ =	shalt  }
0x67: {  	_ =	shalt  }
0x68: {  	_ =	shalt  }
0x69: {  	_ =	shalt  }
0x6a: {  	_ =	shalt  }
0x6b: {  	_ =	shalt  }
0x6c: {  	_ =	shalt  }
0x6d: {  	_ =	shalt  }
0x6e: {  	_ =	shalt  }
0x6f: {  	_ =	shalt  }
0x70: {  	_ =	shalt  }
0x71: {  	_ =	shalt  }
0x72: {  	_ =	shalt  }
0x73: {  	_ =	shalt  }
0x74: {  	_ =	shalt  }
0x75: {  	_ =	shalt  }
0x76: {  	_ =	shalt  }
0x77: {  	_ =	shalt  }
0x78: {  	_ =	shalt  }
0x79: {  	_ =	shalt  }
0x7a: {  	_ =	shalt  }
0x7b: {  	_ =	shalt  }
0x7c: {  	_ =	shalt  }
0x7d: {  	_ =	shalt  }
0x7e: {  	_ =	shalt  }
0x7f: {  	_ =	shalt  }
0x80: {  	_ =	shalt  }
0x81: {  	_ =	shalt  }
0x82: {  	_ =	shalt  }
0x83: {  	_ =	shalt  }
0x84: {  	_ =	shalt  }
0x85: {  	_ =	shalt  }
0x86: {  	_ =	shalt  }
0x87: {  	_ =	shalt  }
.Lfunc_end0:
.L_simem_size_0:
called_computation_lowered:
.L_overlay_start_0:
0x88: {  	s2 =	sld [smem:$0x3FD9]  }
0x89: {  	s3 =	sld [smem:$0x3FFE];
	_ =	sdelay $0x1  }
0x8a: {  	s1 =	srdreg.scid  }
0x8b: {  	s0 =	sand.u32 $0x1, s1  }
0x8c: {  	s18 =	sshll.u32 s0, $0xA;
	s2 =	sadd.s32 s3, s2  }
0x8d: {  	s2 =	sadd.s32 s2, s18  }
0x8e: {  	[smem:$0x3FC7] =	sst s2  }
0x8f: {  	_ = 	snop  }
0x90: {  	s2 =	sld [smem:$0x3FC9]  }
0x91: {  	s19 =	sld [smem:$0x3FD0];
	(tm) =	ssettm $0x1  }
0x92: {  	s4 =	sld [smem:$0x3FFB];
	_ =	sdelay $0x3  }
0x93: {  	_ =	strace s4  }
0x94: {  	s4 =	sld [smem:$0x3FFC];
	_ =	sdelay $0x3  }
0x95: {  	_ =	strace s4  }
0x96: {  	s4 =	sld [smem:$0x3FFD];
	_ =	sdelay $0x3  }
0x97: {  	_ =	strace s4  }
0x98: {  	_ =	strace $0x8FFFFFFF  }
0x99: {  	s20 =	sld [smem:$0x3FDB];
	_ =	sdelay $0x1  }
0x9a: {  	s5 =	simm.s32 $_scs_section_size  }
0x9b: {  	s6 =	simm.s32 $_size__tile_overlayer_lowered;
	s7 =	simm.s32 $_tile_overlayer_lowered  }
0x9c: {  	s23 =	simm.s32 $0x1BFF;
	s22 =	sshll.u32 s7, $0x1;
	s4 =	sadd.s32 s5, s20  }
0x9d: {  	s8 =	simm.s32 $0x0;
	s21 =	sshll.u32 s6, $0x1;
	s6 =	sadd.s32 s22, s4  }
0x9e: {  	[timem:s8], [sflag:s23] =	dma.local [hbm:s6], s21  }
0x9f: {  	_ =	swait.ge [sflag:s23], s21  }
0xa0: {  	s5 =	ssub.s32 $0x0, s21;
	[sflag:s23] =	ssyncset.done $0x0  }
0xa1: {  	[sflag:s23] =	ssyncadd.s32 s5;
	_ =	sdelay $0x1  }
0xa2: {  	s24 =	simm.s32 $0x1B8B  }
0xa3: {  	_ =	swait.ge [sflag:s24], $0x1  }
0xa4: {  	[sflag:s24] =	ssyncset.done $0x0  }
0xa5: {  	s25 =	simm.s32 $0x1B8E;
	[sflag:s24] =	ssyncadd.s32 $0xFFFFFFFF  }
0xa6: {  	s26 =	simm.s32 $execute0_lowered;
	[smem:$0x3FD2] =	sst s25  }
0xa7: {  	s5 =	sshll.u32 s26, $0x1;
	_ =	strace $0x80000046;
	[dreg:$0x1] =	wrdreg $0xFFFFFFFF  }
0xa8: {  	s28 =	simm.s32 $_size_execute0_lowered;
	s4 =	sadd.s32 s4, s5;
	[dreg:$0x0] =	wrdreg $0x0  }
0xa9: {  	s5 =	sshll.u32 s28, $0x1;
	[dreg:$0x2] =	wrdreg s4  }
0xaa: {  	[dreg:$0x3] =	wrdreg s5  }
0xab: {  	[dreg:$0x4] =	wrdreg $0xC0  }
0xac: {  	_ =	task [dreg:s8], $0x5FFFF  }
0xad: {  	[dreg:$0x1] =	wrdreg $0xFFFFFFFF  }
0xae: {  	[dreg:$0x0] =	wrdreg $0x60  }
0xaf: {  	[dreg:$0x2] =	wrdreg s2  }
0xb0: {  	[dreg:$0x3] =	wrdreg s19  }
0xb1: {  	[dreg:$0x4] =	wrdreg $0x9  }
0xb2: {  	_ =	task.clear_ibuf [dreg:s8], $0x5FFFF;
	_ =	strace $0x90000046  }
0xb3: {  	s29 =	simm.s32 $0x9;
	_ =	strace $0x80000048  }
0xb4: {  	_ =	swait.ge [sflag:s29], $0x1  }
0xb5: {  	[sflag:s29] =	ssyncadd.s32 $0xFFFFFFFF  }
0xb6: {  	_ =	strace $0x90000048  }
0xb7: {  	_ =	sfence  }
0xb8: {  	s30 =	sld [smem:$0x0];
	_ =	sdelay $0x2  }
0xb9: {  	s31 =	sshll.u32 s1, $0xD;
	s1 =	sshrl.u32 s1, $0x2  }
0xba: {  	s3 =	sand.u32 $0x4000, s31;
	s1 =	sadd.s32 s1, s30  }
0xbb: {  	s0 =	sor.u32 s3, s0;
	s1 =	sshll.u32 s1, $0x11  }
0xbc: {  	s0 =	sor.u32 s1, s0  }
0xbd: {  	s0 =	sadd.s32 $0x8F2B, s0  }
0xbe: {  	[sflag:s0] =	ssyncadd.remote.s32 $0x1  }
0xbf: {  	_ =	sfence.sel $0xFFFF  }
0xc0: {  	[dreg:$0x0] =	wrdreg $0xFFFFFFFF;
	(pc) =	sbr.abs _section_cstart, $3  }
0xc1: {  	[dreg:$0x1] =	wrdreg $0xFFFFFFFF  }
0xc2: {  	_ =	task.clear_ibuf [dreg:s8], $0x2FFFF;
	_ =	strace $0x9FFFFFFF  }
0xc3: {  	(tm) =	ssettm $0x7FFFFFFF  }
tec
execute0_lowered:
.L_overlay_start_1:
0x0: {  	(tag) =	ssettag $0x1  }
0x1: {  	s3 =	rddreg [dreg:$0x0]  }
0x2: {  	s0 =	rddreg [dreg:$0x1];
	s1 =	srdreg.scid  }
0x3: {  	s4 =	stileid.u32;
	s2 =	simm.s32 $0x0;
	s1 =	sand.u32 $0x1, s1  }
0x4: {  	s4 =	sshll.u32 s4, $0x10;
	[smem:$0x7FF] =	sst s2;
	s5 =	sshll.u32 s1, $0xF  }
0x5: {  	p0 =	por $0x0, $0x0;
	_ =	strace $0x80000047;
	s4 =	sor.u32 s5, s4  }
0x6: {  	s1 =	ssub.s32 $0x2, s1;
	s5 =	sadd.s32 s3, s4;
	s6 =	sor.u32 $0x1000, s4  }
0x7: {  	s7 =	sor.u32 $0x2000, s4;
	[dreg:$0x3] =	wrdreg s5;
	s22 =	sadd.s32 s3, s6  }
0x8: {  	s31 =	sadd.s32 s0, s4;
	s23 =	sadd.s32 s3, s7;
	[dreg:$0x4] =	wrdreg s22  }
0x9: {  	s18 =	sshrl.u32 s1, $0x1;
	s24 =	sadd.s32 $0x100000, s31;
	[dreg:$0x5] =	wrdreg s23  }
0xa: {  	s8 =	sor.u32 $0x3000, s4;
	s25 =	sadd.s32 $0x200000, s31;
	[dreg:$0x6] =	wrdreg s24  }
0xb: {  	s14 =	sor.u32 $0x4000, s4;
	s26 =	sadd.s32 $0x300000, s31;
	[dreg:$0x7] =	wrdreg s25  }
0xc: {  	s1 =	ssub.s32 s1, s18;
	s9 =	sadd.s32 s3, s8;
	[dreg:$0x8] =	wrdreg s26  }
0xd: {  	s21 =	sor.u32 $0x6000, s4;
	s10 =	sadd.s32 s0, s6;
	[dreg:$0x9] =	wrdreg s9  }
0xe: {  	s18 =	simm.s32 $0x1;
	s11 =	sadd.s32 $0x101000, s31;
	[dreg:$0xa] =	wrdreg s10  }
0xf: {  	s12 =	sadd.s32 $0x201000, s31;
	s13 =	sadd.s32 $0x301000, s31;
	[dreg:$0xb] =	wrdreg s11  }
0x10: {  	s15 =	sadd.s32 s3, s14;
	s16 =	sadd.s32 s0, s7;
	[dreg:$0xc] =	wrdreg s12  }
0x11: {  	s17 =	sadd.s32 $0x102000, s31;
	s19 =	sadd.s32 $0x202000, s31;
	[dreg:$0xd] =	wrdreg s13  }
0x12: {  	s20 =	sadd.s32 $0x302000, s31;
	s28 =	sadd.s32 $0x203000, s31;
	[dreg:$0xe] =	wrdreg s15  }
0x13: {  	s29 =	sadd.s32 $0x303000, s31;
	s6 =	sadd.s32 s0, s21;
	[dreg:$0xf] =	wrdreg s16  }
0x14: {  	s7 =	sadd.s32 $0x106000, s31;
	s1 =	smax.u32 s1, $0x1;
	[dreg:$0x10] =	wrdreg s17  }
0x15: {  	s5 =	sadd.s32 $0x107000, s31;
	[dreg:$0x11] =	wrdreg s19;
	s9 =	sor.u32 $0x5000, s4  }
0x16: {  	[dreg:$0x12] =	wrdreg s20;
	s25 =	sadd.s32 s0, s8;
	s26 =	sadd.s32 $0x103000, s31  }
0x17: {  	s24 =	sadd.s32 s3, s21;
	s19 =	sadd.s32 s0, s14;
	s20 =	sadd.s32 $0x104000, s31  }
0x18: {  	s4 =	sor.u32 $0x7000, s4;
	s22 =	sadd.s32 $0x204000, s31;
	s23 =	sadd.s32 $0x304000, s31  }
0x19: {  	s14 =	sadd.s32 $0x105000, s31;
	s15 =	sadd.s32 $0x205000, s31;
	p1 =	sne.s32 s1, $0x1  }
.Ltmp0:
0x1a: {  	s16 =	sadd.s32 $0x305000, s31;
	s8 =	sadd.s32 $0x206000, s31;
	(pc) =	sbr.rel @!p1 .LBB2_5-.Ltmp0, $4  }
0x1b: {  	s10 =	sadd.s32 $0x207000, s31;
	s11 =	sadd.s32 $0x307000, s31;
	s12 =	simm.s32 $0x8000  }
0x1c: {  	s21 =	simm.s32 $0x10000;
	s30 =	sadd.s32 s3, s9;
	s17 =	sadd.s32 s3, s4  }
0x1d: {  	s13 =	sadd.s32 s0, s9;
	s9 =	sadd.s32 $0x306000, s31;
	s4 =	sadd.s32 s0, s4  }
0x1e: {  	s0 =	sadd.s32 $0xFFFFFFFF, s1;
	s3 =	simm.s32 $0x2;
	s1 =	rddreg [dreg:$0x3]  }
0x1f: {  	[dreg:$0x14] =	wrdreg s0  }
0x20: {  	[tilespmem:s2], [sflag:$0x1] =	stream.linear.gather [hbm4b:s1+s2], $0x8000, $0x38;
	[tilespmem:$0x18000] =	vst v63  }
0x21: {  	s0 =	rddreg [dreg:$0x4]  }
0x22: {  	[tilespmem:s12], [sflag:$0x1] =	stream.linear.gather [hbm4b:s0+s2], $0x8000, $0x38;
	[tilespmem:$0x18000] =	vst v63  }
0x23: {  	s1 =	rddreg [dreg:$0x5]  }
0x24: {  	[tilespmem:s21], [sflag:$0x1] =	stream.linear.gather [hbm4b:s1+s2], $0x8000, $0x38;
	[tilespmem:$0x18000] =	vst v63  }
0x25: {  	_ =	swait.ge [sflag:s18], $0x8000  }
0x26: {  	[sflag:s18] =	ssyncset.done $0x0  }
0x27: {  	[sflag:s18] =	ssyncadd.s32 $0xFFFF8000  }
0x28: {  	[hbm4b:s31+s2] =	stream.linear.scatter [tilespmem:s2], [sflag:$0x2], $0x8000, $0x38;
	[tilespmem:$0x18000] =	vst v63  }
0x29: {  	s0 =	rddreg [dreg:$0x6]  }
0x2a: {  	[hbm4b:s0+s2] =	stream.linear.scatter [tilespmem:s2], [sflag:$0x2], $0x8000, $0x38;
	[tilespmem:$0x18000] =	vst v63  }
0x2b: {  	s1 =	rddreg [dreg:$0x7]  }
0x2c: {  	[hbm4b:s1+s2] =	stream.linear.scatter [tilespmem:s2], [sflag:$0x2], $0x8000, $0x38;
	[tilespmem:$0x18000] =	vst v63  }
0x2d: {  	s0 =	rddreg [dreg:$0x8]  }
0x2e: {  	[hbm4b:s0+s2] =	stream.linear.scatter [tilespmem:s2], [sflag:$0x2], $0x8000, $0x38;
	[tilespmem:$0x18000] =	vst v63  }
0x2f: {  	_ =	swait.ge [sflag:s3], $0x8000  }
0x30: {  	[sflag:s3] =	ssyncset.done $0x0  }
0x31: {  	[sflag:s3] =	ssyncadd.s32 $0xFFFF8000  }
0x32: {  	_ =	swait.ge [sflag:s3], $0x8000  }
0x33: {  	[sflag:s3] =	ssyncset.done $0x0  }
0x34: {  	[sflag:s3] =	ssyncadd.s32 $0xFFFF8000  }
0x35: {  	_ =	swait.ge [sflag:s3], $0x8000  }
0x36: {  	[sflag:s3] =	ssyncset.done $0x0  }
0x37: {  	[sflag:s3] =	ssyncadd.s32 $0xFFFF8000  }
0x38: {  	_ =	swait.ge [sflag:s3], $0x8000  }
0x39: {  	[sflag:s3] =	ssyncset.done $0x0  }
0x3a: {  	s1 =	rddreg [dreg:$0x9];
	[sflag:s3] =	ssyncadd.s32 $0xFFFF8000  }
0x3b: {  	[tilespmem:s2], [sflag:$0x1] =	stream.linear.gather [hbm4b:s1+s2], $0x8000, $0x38;
	[tilespmem:$0x18000] =	vst v63  }
0x3c: {  	_ =	swait.ge [sflag:s18], $0x8000  }
0x3d: {  	[sflag:s18] =	ssyncset.done $0x0  }
0x3e: {  	s0 =	rddreg [dreg:$0xa];
	[sflag:s18] =	ssyncadd.s32 $0xFFFF8000  }
0x3f: {  	[hbm4b:s0+s2] =	stream.linear.scatter [tilespmem:s12], [sflag:$0x2], $0x8000, $0x38;
	[tilespmem:$0x18000] =	vst v63  }
0x40: {  	s1 =	rddreg [dreg:$0xb]  }
0x41: {  	[hbm4b:s1+s2] =	stream.linear.scatter [tilespmem:s12], [sflag:$0x2], $0x8000, $0x38;
	[tilespmem:$0x18000] =	vst v63  }
0x42: {  	s0 =	rddreg [dreg:$0xc]  }
0x43: {  	[hbm4b:s0+s2] =	stream.linear.scatter [tilespmem:s12], [sflag:$0x2], $0x8000, $0x38;
	[tilespmem:$0x18000] =	vst v63  }
0x44: {  	s1 =	rddreg [dreg:$0xd]  }
0x45: {  	[hbm4b:s1+s2] =	stream.linear.scatter [tilespmem:s12], [sflag:$0x2], $0x8000, $0x38;
	[tilespmem:$0x18000] =	vst v63  }
0x46: {  	_ =	swait.ge [sflag:s3], $0x8000  }
0x47: {  	[sflag:s3] =	ssyncset.done $0x0  }
0x48: {  	[sflag:s3] =	ssyncadd.s32 $0xFFFF8000  }
0x49: {  	_ =	swait.ge [sflag:s3], $0x8000  }
0x4a: {  	[sflag:s3] =	ssyncset.done $0x0  }
0x4b: {  	[sflag:s3] =	ssyncadd.s32 $0xFFFF8000  }
0x4c: {  	_ =	swait.ge [sflag:s3], $0x8000  }
0x4d: {  	[sflag:s3] =	ssyncset.done $0x0  }
0x4e: {  	[sflag:s3] =	ssyncadd.s32 $0xFFFF8000  }
0x4f: {  	_ =	swait.ge [sflag:s3], $0x8000  }
0x50: {  	[sflag:s3] =	ssyncset.done $0x0  }
0x51: {  	s1 =	rddreg [dreg:$0xe];
	[sflag:s3] =	ssyncadd.s32 $0xFFFF8000  }
0x52: {  	[tilespmem:s12], [sflag:$0x1] =	stream.linear.gather [hbm4b:s1+s2], $0x8000, $0x38;
	[tilespmem:$0x18000] =	vst v63  }
0x53: {  	_ =	swait.ge [sflag:s18], $0x8000  }
0x54: {  	[sflag:s18] =	ssyncset.done $0x0  }
0x55: {  	s0 =	rddreg [dreg:$0xf];
	[sflag:s18] =	ssyncadd.s32 $0xFFFF8000  }
0x56: {  	[hbm4b:s0+s2] =	stream.linear.scatter [tilespmem:s21], [sflag:$0x2], $0x8000, $0x38;
	[tilespmem:$0x18000] =	vst v63  }
0x57: {  	s1 =	rddreg [dreg:$0x10]  }
0x58: {  	[hbm4b:s1+s2] =	stream.linear.scatter [tilespmem:s21], [sflag:$0x2], $0x8000, $0x38;
	[tilespmem:$0x18000] =	vst v63  }
0x59: {  	s0 =	rddreg [dreg:$0x11]  }
0x5a: {  	[hbm4b:s0+s2] =	stream.linear.scatter [tilespmem:s21], [sflag:$0x2], $0x8000, $0x38;
	[tilespmem:$0x18000] =	vst v63  }
0x5b: {  	s1 =	rddreg [dreg:$0x12]  }
0x5c: {  	[hbm4b:s1+s2] =	stream.linear.scatter [tilespmem:s21], [sflag:$0x2], $0x8000, $0x38;
	[tilespmem:$0x18000] =	vst v63  }
0x5d: {  	_ =	swait.ge [sflag:s3], $0x8000  }
0x5e: {  	[sflag:s3] =	ssyncset.done $0x0  }
0x5f: {  	[sflag:s3] =	ssyncadd.s32 $0xFFFF8000  }
0x60: {  	_ =	swait.ge [sflag:s3], $0x8000  }
0x61: {  	[sflag:s3] =	ssyncset.done $0x0  }
0x62: {  	[sflag:s3] =	ssyncadd.s32 $0xFFFF8000  }
0x63: {  	_ =	swait.ge [sflag:s3], $0x8000  }
0x64: {  	[sflag:s3] =	ssyncset.done $0x0  }
0x65: {  	[sflag:s3] =	ssyncadd.s32 $0xFFFF8000  }
0x66: {  	_ =	swait.ge [sflag:s3], $0x8000  }
0x67: {  	[sflag:s3] =	ssyncset.done $0x0  }
0x68: {  	[sflag:s3] =	ssyncadd.s32 $0xFFFF8000  }
0x69: {  	[tilespmem:s21], [sflag:$0x1] =	stream.linear.gather [hbm4b:s30+s2], $0x8000, $0x38;
	[tilespmem:$0x18000] =	vst v63  }
0x6a: {  	_ =	swait.ge [sflag:s18], $0x8000  }
0x6b: {  	[sflag:s18] =	ssyncset.done $0x0  }
0x6c: {  	[sflag:s18] =	ssyncadd.s32 $0xFFFF8000  }
0x6d: {  	[hbm4b:s25+s2] =	stream.linear.scatter [tilespmem:s2], [sflag:$0x2], $0x8000, $0x38;
	[tilespmem:$0x18000] =	vst v63  }
0x6e: {  	_ = 	snop  }
0x6f: {  	[hbm4b:s26+s2] =	stream.linear.scatter [tilespmem:s2], [sflag:$0x2], $0x8000, $0x38;
	[tilespmem:$0x18000] =	vst v63  }
0x70: {  	_ = 	snop  }
0x71: {  	[hbm4b:s28+s2] =	stream.linear.scatter [tilespmem:s2], [sflag:$0x2], $0x8000, $0x38;
	[tilespmem:$0x18000] =	vst v63  }
0x72: {  	_ = 	snop  }
0x73: {  	[hbm4b:s29+s2] =	stream.linear.scatter [tilespmem:s2], [sflag:$0x2], $0x8000, $0x38;
	[tilespmem:$0x18000] =	vst v63  }
0x74: {  	_ =	swait.ge [sflag:s3], $0x8000  }
0x75: {  	[sflag:s3] =	ssyncset.done $0x0  }
0x76: {  	[sflag:s3] =	ssyncadd.s32 $0xFFFF8000  }
0x77: {  	_ =	swait.ge [sflag:s3], $0x8000  }
0x78: {  	[sflag:s3] =	ssyncset.done $0x0  }
0x79: {  	[sflag:s3] =	ssyncadd.s32 $0xFFFF8000  }
0x7a: {  	_ =	swait.ge [sflag:s3], $0x8000  }
0x7b: {  	[sflag:s3] =	ssyncset.done $0x0  }
0x7c: {  	[sflag:s3] =	ssyncadd.s32 $0xFFFF8000  }
0x7d: {  	_ =	swait.ge [sflag:s3], $0x8000  }
0x7e: {  	[sflag:s3] =	ssyncset.done $0x0  }
0x7f: {  	[sflag:s3] =	ssyncadd.s32 $0xFFFF8000  }
0x80: {  	[tilespmem:s2], [sflag:$0x1] =	stream.linear.gather [hbm4b:s24+s2], $0x8000, $0x38;
	[tilespmem:$0x18000] =	vst v63  }
0x81: {  	_ =	swait.ge [sflag:s18], $0x8000  }
0x82: {  	[sflag:s18] =	ssyncset.done $0x0  }
0x83: {  	[sflag:s18] =	ssyncadd.s32 $0xFFFF8000  }
0x84: {  	[hbm4b:s19+s2] =	stream.linear.scatter [tilespmem:s12], [sflag:$0x2], $0x8000, $0x38;
	[tilespmem:$0x18000] =	vst v63  }
0x85: {  	_ = 	snop  }
0x86: {  	[hbm4b:s20+s2] =	stream.linear.scatter [tilespmem:s12], [sflag:$0x2], $0x8000, $0x38;
	[tilespmem:$0x18000] =	vst v63  }
0x87: {  	_ = 	snop  }
0x88: {  	[hbm4b:s22+s2] =	stream.linear.scatter [tilespmem:s12], [sflag:$0x2], $0x8000, $0x38;
	[tilespmem:$0x18000] =	vst v63  }
0x89: {  	_ = 	snop  }
0x8a: {  	[hbm4b:s23+s2] =	stream.linear.scatter [tilespmem:s12], [sflag:$0x2], $0x8000, $0x38;
	[tilespmem:$0x18000] =	vst v63  }
0x8b: {  	_ =	swait.ge [sflag:s3], $0x8000  }
0x8c: {  	[sflag:s3] =	ssyncset.done $0x0  }
0x8d: {  	[sflag:s3] =	ssyncadd.s32 $0xFFFF8000  }
0x8e: {  	_ =	swait.ge [sflag:s3], $0x8000  }
0x8f: {  	[sflag:s3] =	ssyncset.done $0x0  }
0x90: {  	[sflag:s3] =	ssyncadd.s32 $0xFFFF8000  }
0x91: {  	_ =	swait.ge [sflag:s3], $0x8000  }
0x92: {  	[sflag:s3] =	ssyncset.done $0x0  }
0x93: {  	[sflag:s3] =	ssyncadd.s32 $0xFFFF8000  }
0x94: {  	_ =	swait.ge [sflag:s3], $0x8000  }
0x95: {  	[sflag:s3] =	ssyncset.done $0x0  }
0x96: {  	[sflag:s3] =	ssyncadd.s32 $0xFFFF8000  }
0x97: {  	[tilespmem:s12], [sflag:$0x1] =	stream.linear.gather [hbm4b:s17+s2], $0x8000, $0x38;
	[tilespmem:$0x18000] =	vst v63  }
0x98: {  	_ =	swait.ge [sflag:s18], $0x8000  }
0x99: {  	[sflag:s18] =	ssyncset.done $0x0  }
0x9a: {  	[sflag:s18] =	ssyncadd.s32 $0xFFFF8000  }
0x9b: {  	[hbm4b:s13+s2] =	stream.linear.scatter [tilespmem:s21], [sflag:$0x2], $0x8000, $0x38;
	[tilespmem:$0x18000] =	vst v63  }
0x9c: {  	_ = 	snop  }
0x9d: {  	[hbm4b:s14+s2] =	stream.linear.scatter [tilespmem:s21], [sflag:$0x2], $0x8000, $0x38;
	[tilespmem:$0x18000] =	vst v63  }
0x9e: {  	_ = 	snop  }
0x9f: {  	[hbm4b:s15+s2] =	stream.linear.scatter [tilespmem:s21], [sflag:$0x2], $0x8000, $0x38;
	[tilespmem:$0x18000] =	vst v63  }
0xa0: {  	_ = 	snop  }
0xa1: {  	[hbm4b:s16+s2] =	stream.linear.scatter [tilespmem:s21], [sflag:$0x2], $0x8000, $0x38;
	[tilespmem:$0x18000] =	vst v63  }
0xa2: {  	_ =	swait.ge [sflag:s18], $0x8000  }
0xa3: {  	[sflag:s18] =	ssyncset.done $0x0  }
0xa4: {  	[sflag:s18] =	ssyncadd.s32 $0xFFFF8000  }
0xa5: {  	[hbm4b:s6+s2] =	stream.linear.scatter [tilespmem:s2], [sflag:$0x2], $0x8000, $0x38;
	[tilespmem:$0x18000] =	vst v63  }
0xa6: {  	_ = 	snop  }
0xa7: {  	[hbm4b:s7+s2] =	stream.linear.scatter [tilespmem:s2], [sflag:$0x2], $0x8000, $0x38;
	[tilespmem:$0x18000] =	vst v63  }
0xa8: {  	_ = 	snop  }
0xa9: {  	[hbm4b:s8+s2] =	stream.linear.scatter [tilespmem:s2], [sflag:$0x2], $0x8000, $0x38;
	[tilespmem:$0x18000] =	vst v63  }
0xaa: {  	_ = 	snop  }
0xab: {  	[hbm4b:s9+s2] =	stream.linear.scatter [tilespmem:s2], [sflag:$0x2], $0x8000, $0x38;
	[tilespmem:$0x18000] =	vst v63  }
0xac: {  	_ =	swait.ge [sflag:s18], $0x8000  }
0xad: {  	[sflag:s18] =	ssyncset.done $0x0  }
0xae: {  	[sflag:s18] =	ssyncadd.s32 $0xFFFF8000  }
0xaf: {  	[hbm4b:s4+s2] =	stream.linear.scatter [tilespmem:s12], [sflag:$0x2], $0x8000, $0x38;
	[tilespmem:$0x18000] =	vst v63  }
0xb0: {  	_ = 	snop  }
0xb1: {  	[hbm4b:s5+s2] =	stream.linear.scatter [tilespmem:s12], [sflag:$0x2], $0x8000, $0x38;
	[tilespmem:$0x18000] =	vst v63  }
0xb2: {  	_ = 	snop  }
0xb3: {  	[hbm4b:s10+s2] =	stream.linear.scatter [tilespmem:s12], [sflag:$0x2], $0x8000, $0x38;
	[tilespmem:$0x18000] =	vst v63  }
0xb4: {  	_ = 	snop  }
0xb5: {  	[hbm4b:s11+s2] =	stream.linear.scatter [tilespmem:s12], [sflag:$0x2], $0x8000, $0x38;
	[tilespmem:$0x18000] =	vst v63  }
0xb6: {  	_ =	swait.ge [sflag:s3], $0x8000  }
0xb7: {  	[sflag:s3] =	ssyncset.done $0x0  }
0xb8: {  	[sflag:s3] =	ssyncadd.s32 $0xFFFF8000  }
0xb9: {  	_ =	swait.ge [sflag:s3], $0x8000  }
0xba: {  	[sflag:s3] =	ssyncset.done $0x0  }
0xbb: {  	[sflag:s3] =	ssyncadd.s32 $0xFFFF8000  }
0xbc: {  	_ =	swait.ge [sflag:s3], $0x8000  }
0xbd: {  	[sflag:s3] =	ssyncset.done $0x0  }
0xbe: {  	[sflag:s3] =	ssyncadd.s32 $0xFFFF8000  }
0xbf: {  	_ =	swait.ge [sflag:s3], $0x8000  }
0xc0: {  	[sflag:s3] =	ssyncset.done $0x0  }
0xc1: {  	[sflag:s3] =	ssyncadd.s32 $0xFFFF8000  }
0xc2: {  	_ =	swait.ge [sflag:s3], $0x8000  }
0xc3: {  	[sflag:s3] =	ssyncset.done $0x0  }
0xc4: {  	[sflag:s3] =	ssyncadd.s32 $0xFFFF8000  }
0xc5: {  	_ =	swait.ge [sflag:s3], $0x8000  }
0xc6: {  	[sflag:s3] =	ssyncset.done $0x0  }
0xc7: {  	[sflag:s3] =	ssyncadd.s32 $0xFFFF8000  }
0xc8: {  	_ =	swait.ge [sflag:s3], $0x8000  }
0xc9: {  	[sflag:s3] =	ssyncset.done $0x0  }
0xca: {  	[sflag:s3] =	ssyncadd.s32 $0xFFFF8000  }
0xcb: {  	_ =	swait.ge [sflag:s3], $0x8000  }
0xcc: {  	[sflag:s3] =	ssyncset.done $0x0  }
0xcd: {  	[sflag:s3] =	ssyncadd.s32 $0xFFFF8000  }
0xce: {  	_ =	swait.ge [sflag:s3], $0x8000  }
0xcf: {  	[sflag:s3] =	ssyncset.done $0x0  }
0xd0: {  	[sflag:s3] =	ssyncadd.s32 $0xFFFF8000  }
0xd1: {  	_ =	swait.ge [sflag:s3], $0x8000  }
0xd2: {  	[sflag:s3] =	ssyncset.done $0x0  }
0xd3: {  	[sflag:s3] =	ssyncadd.s32 $0xFFFF8000  }
0xd4: {  	_ =	swait.ge [sflag:s3], $0x8000  }
0xd5: {  	s1 =	rddreg [dreg:$0x14]  }
0xd6: {  	p1 =	sne.s32 s1, $0x1  }
.Ltmp1:
0xd7: {  	_ = 	snop;
	(pc) =	sbr.rel @!p1 .LBB2_2-.Ltmp1, $4  }
0xd8: {  	[sflag:s3] =	ssyncset.done $0x0  }
0xd9: {  	[sflag:s3] =	ssyncadd.s32 $0xFFFF8000  }
0xda: {  	p0 =	por $0x1, $0x1;
	_ =	swait.ge [sflag:s3], $0x8000;
	[dreg:$0x13] =	wrdreg s31  }
0xdb: {  	s0 =	sadd.s32 $0xFFFFFFFF, s1;
	s1 =	rddreg [dreg:$0x3];
	[sflag:s3] =	ssyncset.done $0x0  }
.LBB2_3:
0xdc: {  	[sflag:s3] =	ssyncadd.s32 $0xFFFF8000  }
0xdd: {  	s31 =	smov.u32 s30;
	s30 =	smov.u32 s29;
	s29 =	smov.u32 s28  }
0xde: {  	s28 =	smov.u32 s26;
	s26 =	smov.u32 s25;
	s25 =	smov.u32 s24  }
0xdf: {  	s24 =	smov.u32 s23;
	s23 =	smov.u32 s22;
	s22 =	smov.u32 s20  }
0xe0: {  	s20 =	smov.u32 s19;
	s19 =	smov.u32 s17;
	s17 =	smov.u32 s16  }
0xe1: {  	s16 =	smov.u32 s15;
	s15 =	smov.u32 s14;
	s14 =	smov.u32 s13  }
0xe2: {  	s13 =	smov.u32 s11;
	s11 =	smov.u32 s10;
	s10 =	smov.u32 s9  }
0xe3: {  	s9 =	smov.u32 s8;
	s8 =	smov.u32 s7;
	s7 =	smov.u32 s6  }
0xe4: {  	[tilespmem:s2], [sflag:$0x1] =	stream.linear.gather [hbm4b:s1+s2], $0x8000, $0x38;
	[tilespmem:$0x18000] =	vst v63  }
0xe5: {  	s6 =	smov.u32 s5;
	s5 =	smov.u32 s4;
	s4 =	rddreg [dreg:$0x4]  }
0xe6: {  	[tilespmem:s12], [sflag:$0x1] =	stream.linear.gather [hbm4b:s4+s2], $0x8000, $0x38;
	[tilespmem:$0x18000] =	vst v63  }
0xe7: {  	s1 =	rddreg [dreg:$0x5]  }
0xe8: {  	[tilespmem:s21], [sflag:$0x1] =	stream.linear.gather [hbm4b:s1+s2], $0x8000, $0x38;
	[tilespmem:$0x18000] =	vst v63  }
0xe9: {  	_ =	swait.ge [sflag:s18], $0x8000  }
0xea: {  	[sflag:s18] =	ssyncset.done $0x0  }
0xeb: {  	s4 =	rddreg [dreg:$0x13];
	[sflag:s18] =	ssyncadd.s32 $0xFFFF8000  }
0xec: {  	[hbm4b:s4+s2] =	stream.linear.scatter [tilespmem:s2], [sflag:$0x2], $0x8000, $0x38;
	[tilespmem:$0x18000] =	vst v63  }
0xed: {  	s1 =	rddreg [dreg:$0x6]  }
0xee: {  	[hbm4b:s1+s2] =	stream.linear.scatter [tilespmem:s2], [sflag:$0x2], $0x8000, $0x38;
	[tilespmem:$0x18000] =	vst v63  }
0xef: {  	s4 =	rddreg [dreg:$0x7]  }
0xf0: {  	[hbm4b:s4+s2] =	stream.linear.scatter [tilespmem:s2], [sflag:$0x2], $0x8000, $0x38;
	[tilespmem:$0x18000] =	vst v63  }
0xf1: {  	s1 =	rddreg [dreg:$0x8]  }
0xf2: {  	[hbm4b:s1+s2] =	stream.linear.scatter [tilespmem:s2], [sflag:$0x2], $0x8000, $0x38;
	[tilespmem:$0x18000] =	vst v63  }
0xf3: {  	_ =	swait.ge [sflag:s3], $0x8000  }
0xf4: {  	[sflag:s3] =	ssyncset.done $0x0  }
0xf5: {  	[sflag:s3] =	ssyncadd.s32 $0xFFFF8000  }
0xf6: {  	_ =	swait.ge [sflag:s3], $0x8000  }
0xf7: {  	[sflag:s3] =	ssyncset.done $0x0  }
0xf8: {  	[sflag:s3] =	ssyncadd.s32 $0xFFFF8000  }
0xf9: {  	_ =	swait.ge [sflag:s3], $0x8000  }
0xfa: {  	[sflag:s3] =	ssyncset.done $0x0  }
0xfb: {  	[sflag:s3] =	ssyncadd.s32 $0xFFFF8000  }
0xfc: {  	_ =	swait.ge [sflag:s3], $0x8000  }
0xfd: {  	[sflag:s3] =	ssyncset.done $0x0  }
0xfe: {  	s4 =	rddreg [dreg:$0x9];
	[sflag:s3] =	ssyncadd.s32 $0xFFFF8000  }
0xff: {  	[tilespmem:s2], [sflag:$0x1] =	stream.linear.gather [hbm4b:s4+s2], $0x8000, $0x38;
	[tilespmem:$0x18000] =	vst v63  }
0x100: {  	_ =	swait.ge [sflag:s18], $0x8000  }
0x101: {  	[sflag:s18] =	ssyncset.done $0x0  }
0x102: {  	s1 =	rddreg [dreg:$0xa];
	[sflag:s18] =	ssyncadd.s32 $0xFFFF8000  }
0x103: {  	[hbm4b:s1+s2] =	stream.linear.scatter [tilespmem:s12], [sflag:$0x2], $0x8000, $0x38;
	[tilespmem:$0x18000] =	vst v63  }
0x104: {  	s4 =	rddreg [dreg:$0xb]  }
0x105: {  	[hbm4b:s4+s2] =	stream.linear.scatter [tilespmem:s12], [sflag:$0x2], $0x8000, $0x38;
	[tilespmem:$0x18000] =	vst v63  }
0x106: {  	s1 =	rddreg [dreg:$0xc]  }
0x107: {  	[hbm4b:s1+s2] =	stream.linear.scatter [tilespmem:s12], [sflag:$0x2], $0x8000, $0x38;
	[tilespmem:$0x18000] =	vst v63  }
0x108: {  	s4 =	rddreg [dreg:$0xd]  }
0x109: {  	[hbm4b:s4+s2] =	stream.linear.scatter [tilespmem:s12], [sflag:$0x2], $0x8000, $0x38;
	[tilespmem:$0x18000] =	vst v63  }
0x10a: {  	_ =	swait.ge [sflag:s3], $0x8000  }
0x10b: {  	[sflag:s3] =	ssyncset.done $0x0  }
0x10c: {  	[sflag:s3] =	ssyncadd.s32 $0xFFFF8000  }
0x10d: {  	_ =	swait.ge [sflag:s3], $0x8000  }
0x10e: {  	[sflag:s3] =	ssyncset.done $0x0  }
0x10f: {  	[sflag:s3] =	ssyncadd.s32 $0xFFFF8000  }
0x110: {  	_ =	swait.ge [sflag:s3], $0x8000  }
0x111: {  	[sflag:s3] =	ssyncset.done $0x0  }
0x112: {  	[sflag:s3] =	ssyncadd.s32 $0xFFFF8000  }
0x113: {  	_ =	swait.ge [sflag:s3], $0x8000  }
0x114: {  	[sflag:s3] =	ssyncset.done $0x0  }
0x115: {  	s4 =	rddreg [dreg:$0xe];
	[sflag:s3] =	ssyncadd.s32 $0xFFFF8000  }
0x116: {  	[tilespmem:s12], [sflag:$0x1] =	stream.linear.gather [hbm4b:s4+s2], $0x8000, $0x38;
	[tilespmem:$0x18000] =	vst v63  }
0x117: {  	_ =	swait.ge [sflag:s18], $0x8000  }
0x118: {  	[sflag:s18] =	ssyncset.done $0x0  }
0x119: {  	s1 =	rddreg [dreg:$0xf];
	[sflag:s18] =	ssyncadd.s32 $0xFFFF8000  }
0x11a: {  	[hbm4b:s1+s2] =	stream.linear.scatter [tilespmem:s21], [sflag:$0x2], $0x8000, $0x38;
	[tilespmem:$0x18000] =	vst v63  }
0x11b: {  	s4 =	rddreg [dreg:$0x10]  }
0x11c: {  	[hbm4b:s4+s2] =	stream.linear.scatter [tilespmem:s21], [sflag:$0x2], $0x8000, $0x38;
	[tilespmem:$0x18000] =	vst v63  }
0x11d: {  	s1 =	rddreg [dreg:$0x11]  }
0x11e: {  	[hbm4b:s1+s2] =	stream.linear.scatter [tilespmem:s21], [sflag:$0x2], $0x8000, $0x38;
	[tilespmem:$0x18000] =	vst v63  }
0x11f: {  	s4 =	rddreg [dreg:$0x12]  }
0x120: {  	[hbm4b:s4+s2] =	stream.linear.scatter [tilespmem:s21], [sflag:$0x2], $0x8000, $0x38;
	[tilespmem:$0x18000] =	vst v63  }
0x121: {  	_ =	swait.ge [sflag:s3], $0x8000  }
0x122: {  	[sflag:s3] =	ssyncset.done $0x0  }
0x123: {  	[sflag:s3] =	ssyncadd.s32 $0xFFFF8000  }
0x124: {  	_ =	swait.ge [sflag:s3], $0x8000  }
0x125: {  	[sflag:s3] =	ssyncset.done $0x0  }
0x126: {  	s4 =	smov.u32 s5;
	[sflag:s3] =	ssyncadd.s32 $0xFFFF8000  }
0x127: {  	s5 =	smov.u32 s6;
	s6 =	smov.u32 s7;
	_ =	swait.ge [sflag:s3], $0x8000  }
0x128: {  	s7 =	smov.u32 s8;
	s8 =	smov.u32 s9;
	[sflag:s3] =	ssyncset.done $0x0  }
0x129: {  	s9 =	smov.u32 s10;
	s10 =	smov.u32 s11;
	[sflag:s3] =	ssyncadd.s32 $0xFFFF8000  }
0x12a: {  	s11 =	smov.u32 s13;
	s13 =	smov.u32 s14;
	_ =	swait.ge [sflag:s3], $0x8000  }
0x12b: {  	s14 =	smov.u32 s15;
	s15 =	smov.u32 s16;
	[sflag:s3] =	ssyncset.done $0x0  }
0x12c: {  	s16 =	smov.u32 s17;
	s17 =	smov.u32 s19;
	[sflag:s3] =	ssyncadd.s32 $0xFFFF8000  }
0x12d: {  	[tilespmem:s21], [sflag:$0x1] =	stream.linear.gather [hbm4b:s31+s2], $0x8000, $0x38;
	[tilespmem:$0x18000] =	vst v63  }
0x12e: {  	s19 =	smov.u32 s20;
	s20 =	smov.u32 s22;
	_ =	swait.ge [sflag:s18], $0x8000  }
0x12f: {  	s22 =	smov.u32 s23;
	s23 =	smov.u32 s24;
	[sflag:s18] =	ssyncset.done $0x0  }
0x130: {  	s24 =	smov.u32 s25;
	s25 =	smov.u32 s26;
	[sflag:s18] =	ssyncadd.s32 $0xFFFF8000  }
0x131: {  	[hbm4b:s25+s2] =	stream.linear.scatter [tilespmem:s2], [sflag:$0x2], $0x8000, $0x38;
	[tilespmem:$0x18000] =	vst v63  }
0x132: {  	s26 =	smov.u32 s28  }
0x133: {  	[hbm4b:s26+s2] =	stream.linear.scatter [tilespmem:s2], [sflag:$0x2], $0x8000, $0x38;
	[tilespmem:$0x18000] =	vst v63  }
0x134: {  	s28 =	smov.u32 s29  }
0x135: {  	[hbm4b:s28+s2] =	stream.linear.scatter [tilespmem:s2], [sflag:$0x2], $0x8000, $0x38;
	[tilespmem:$0x18000] =	vst v63  }
0x136: {  	s29 =	smov.u32 s30  }
0x137: {  	[hbm4b:s29+s2] =	stream.linear.scatter [tilespmem:s2], [sflag:$0x2], $0x8000, $0x38;
	[tilespmem:$0x18000] =	vst v63  }
0x138: {  	_ =	swait.ge [sflag:s3], $0x8000  }
0x139: {  	[sflag:s3] =	ssyncset.done $0x0  }
0x13a: {  	[sflag:s3] =	ssyncadd.s32 $0xFFFF8000  }
0x13b: {  	_ =	swait.ge [sflag:s3], $0x8000  }
0x13c: {  	[sflag:s3] =	ssyncset.done $0x0  }
0x13d: {  	[sflag:s3] =	ssyncadd.s32 $0xFFFF8000  }
0x13e: {  	_ =	swait.ge [sflag:s3], $0x8000  }
0x13f: {  	[sflag:s3] =	ssyncset.done $0x0  }
0x140: {  	[sflag:s3] =	ssyncadd.s32 $0xFFFF8000  }
0x141: {  	_ =	swait.ge [sflag:s3], $0x8000  }
0x142: {  	[sflag:s3] =	ssyncset.done $0x0  }
0x143: {  	[sflag:s3] =	ssyncadd.s32 $0xFFFF8000  }
0x144: {  	[tilespmem:s2], [sflag:$0x1] =	stream.linear.gather [hbm4b:s24+s2], $0x8000, $0x38;
	[tilespmem:$0x18000] =	vst v63  }
0x145: {  	_ =	swait.ge [sflag:s18], $0x8000  }
0x146: {  	[sflag:s18] =	ssyncset.done $0x0  }
0x147: {  	[sflag:s18] =	ssyncadd.s32 $0xFFFF8000  }
0x148: {  	[hbm4b:s19+s2] =	stream.linear.scatter [tilespmem:s12], [sflag:$0x2], $0x8000, $0x38;
	[tilespmem:$0x18000] =	vst v63  }
0x149: {  	_ = 	snop  }
0x14a: {  	[hbm4b:s20+s2] =	stream.linear.scatter [tilespmem:s12], [sflag:$0x2], $0x8000, $0x38;
	[tilespmem:$0x18000] =	vst v63  }
0x14b: {  	_ = 	snop  }
0x14c: {  	[hbm4b:s22+s2] =	stream.linear.scatter [tilespmem:s12], [sflag:$0x2], $0x8000, $0x38;
	[tilespmem:$0x18000] =	vst v63  }
0x14d: {  	_ = 	snop  }
0x14e: {  	[hbm4b:s23+s2] =	stream.linear.scatter [tilespmem:s12], [sflag:$0x2], $0x8000, $0x38;
	[tilespmem:$0x18000] =	vst v63  }
0x14f: {  	_ =	swait.ge [sflag:s3], $0x8000  }
0x150: {  	[sflag:s3] =	ssyncset.done $0x0  }
0x151: {  	[sflag:s3] =	ssyncadd.s32 $0xFFFF8000  }
0x152: {  	_ =	swait.ge [sflag:s3], $0x8000  }
0x153: {  	[sflag:s3] =	ssyncset.done $0x0  }
0x154: {  	[sflag:s3] =	ssyncadd.s32 $0xFFFF8000  }
0x155: {  	_ =	swait.ge [sflag:s3], $0x8000  }
0x156: {  	[sflag:s3] =	ssyncset.done $0x0  }
0x157: {  	[sflag:s3] =	ssyncadd.s32 $0xFFFF8000  }
0x158: {  	_ =	swait.ge [sflag:s3], $0x8000  }
0x159: {  	[sflag:s3] =	ssyncset.done $0x0  }
0x15a: {  	[sflag:s3] =	ssyncadd.s32 $0xFFFF8000  }
0x15b: {  	[tilespmem:s12], [sflag:$0x1] =	stream.linear.gather [hbm4b:s17+s2], $0x8000, $0x38;
	[tilespmem:$0x18000] =	vst v63  }
0x15c: {  	_ =	swait.ge [sflag:s18], $0x8000  }
0x15d: {  	[sflag:s18] =	ssyncset.done $0x0  }
0x15e: {  	[sflag:s18] =	ssyncadd.s32 $0xFFFF8000  }
0x15f: {  	[hbm4b:s13+s2] =	stream.linear.scatter [tilespmem:s21], [sflag:$0x2], $0x8000, $0x38;
	[tilespmem:$0x18000] =	vst v63  }
0x160: {  	_ = 	snop  }
0x161: {  	[hbm4b:s14+s2] =	stream.linear.scatter [tilespmem:s21], [sflag:$0x2], $0x8000, $0x38;
	[tilespmem:$0x18000] =	vst v63  }
0x162: {  	_ = 	snop  }
0x163: {  	[hbm4b:s15+s2] =	stream.linear.scatter [tilespmem:s21], [sflag:$0x2], $0x8000, $0x38;
	[tilespmem:$0x18000] =	vst v63  }
0x164: {  	_ = 	snop  }
0x165: {  	[hbm4b:s16+s2] =	stream.linear.scatter [tilespmem:s21], [sflag:$0x2], $0x8000, $0x38;
	[tilespmem:$0x18000] =	vst v63  }
0x166: {  	_ =	swait.ge [sflag:s18], $0x8000  }
0x167: {  	[sflag:s18] =	ssyncset.done $0x0  }
0x168: {  	[sflag:s18] =	ssyncadd.s32 $0xFFFF8000  }
0x169: {  	[hbm4b:s6+s2] =	stream.linear.scatter [tilespmem:s2], [sflag:$0x2], $0x8000, $0x38;
	[tilespmem:$0x18000] =	vst v63  }
0x16a: {  	_ = 	snop  }
0x16b: {  	[hbm4b:s7+s2] =	stream.linear.scatter [tilespmem:s2], [sflag:$0x2], $0x8000, $0x38;
	[tilespmem:$0x18000] =	vst v63  }
0x16c: {  	_ = 	snop  }
0x16d: {  	[hbm4b:s8+s2] =	stream.linear.scatter [tilespmem:s2], [sflag:$0x2], $0x8000, $0x38;
	[tilespmem:$0x18000] =	vst v63  }
0x16e: {  	_ = 	snop  }
0x16f: {  	[hbm4b:s9+s2] =	stream.linear.scatter [tilespmem:s2], [sflag:$0x2], $0x8000, $0x38;
	[tilespmem:$0x18000] =	vst v63  }
0x170: {  	_ =	swait.ge [sflag:s18], $0x8000  }
0x171: {  	[sflag:s18] =	ssyncset.done $0x0  }
0x172: {  	[sflag:s18] =	ssyncadd.s32 $0xFFFF8000  }
0x173: {  	[hbm4b:s4+s2] =	stream.linear.scatter [tilespmem:s12], [sflag:$0x2], $0x8000, $0x38;
	[tilespmem:$0x18000] =	vst v63  }
0x174: {  	_ = 	snop  }
0x175: {  	[hbm4b:s5+s2] =	stream.linear.scatter [tilespmem:s12], [sflag:$0x2], $0x8000, $0x38;
	[tilespmem:$0x18000] =	vst v63  }
0x176: {  	_ = 	snop  }
0x177: {  	[hbm4b:s10+s2] =	stream.linear.scatter [tilespmem:s12], [sflag:$0x2], $0x8000, $0x38;
	[tilespmem:$0x18000] =	vst v63  }
0x178: {  	_ = 	snop  }
0x179: {  	[hbm4b:s11+s2] =	stream.linear.scatter [tilespmem:s12], [sflag:$0x2], $0x8000, $0x38;
	[tilespmem:$0x18000] =	vst v63  }
0x17a: {  	_ =	swait.ge [sflag:s3], $0x8000  }
0x17b: {  	[sflag:s3] =	ssyncset.done $0x0  }
0x17c: {  	[sflag:s3] =	ssyncadd.s32 $0xFFFF8000  }
0x17d: {  	_ =	swait.ge [sflag:s3], $0x8000  }
0x17e: {  	[sflag:s3] =	ssyncset.done $0x0  }
0x17f: {  	[sflag:s3] =	ssyncadd.s32 $0xFFFF8000  }
0x180: {  	_ =	swait.ge [sflag:s3], $0x8000  }
0x181: {  	[sflag:s3] =	ssyncset.done $0x0  }
0x182: {  	[sflag:s3] =	ssyncadd.s32 $0xFFFF8000  }
0x183: {  	_ =	swait.ge [sflag:s3], $0x8000  }
0x184: {  	[sflag:s3] =	ssyncset.done $0x0  }
0x185: {  	[sflag:s3] =	ssyncadd.s32 $0xFFFF8000  }
0x186: {  	_ =	swait.ge [sflag:s3], $0x8000  }
0x187: {  	[sflag:s3] =	ssyncset.done $0x0  }
0x188: {  	[sflag:s3] =	ssyncadd.s32 $0xFFFF8000  }
0x189: {  	_ =	swait.ge [sflag:s3], $0x8000  }
0x18a: {  	[sflag:s3] =	ssyncset.done $0x0  }
0x18b: {  	[sflag:s3] =	ssyncadd.s32 $0xFFFF8000  }
0x18c: {  	_ =	swait.ge [sflag:s3], $0x8000  }
0x18d: {  	[sflag:s3] =	ssyncset.done $0x0  }
0x18e: {  	[sflag:s3] =	ssyncadd.s32 $0xFFFF8000  }
0x18f: {  	_ =	swait.ge [sflag:s3], $0x8000  }
0x190: {  	[sflag:s3] =	ssyncset.done $0x0  }
0x191: {  	[sflag:s3] =	ssyncadd.s32 $0xFFFF8000  }
0x192: {  	_ =	swait.ge [sflag:s3], $0x8000  }
0x193: {  	[sflag:s3] =	ssyncset.done $0x0  }
0x194: {  	[sflag:s3] =	ssyncadd.s32 $0xFFFF8000  }
0x195: {  	_ =	swait.ge [sflag:s3], $0x8000  }
0x196: {  	[sflag:s3] =	ssyncset.done $0x0  }
0x197: {  	p1 =	sne.s32 s0, $0x1;
	[sflag:s3] =	ssyncadd.s32 $0xFFFF8000  }
.Ltmp2:
0x198: {  	_ =	swait.ge [sflag:s3], $0x8000;
	(pc) =	sbr.rel @p1 .LBB2_3-.Ltmp2, $4  }
0x199: {  	[sflag:s3] =	ssyncset.done $0x0  }
0x19a: {  	[sflag:s3] =	ssyncadd.s32 $0xFFFF8000  }
0x19b: {  	s0 =	sadd.s32 $0xFFFFFFFF, s0;
	_ =	swait.ge [sflag:s3], $0x8000  }
0x19c: {  	s30 =	smov.u32 s31;
	s1 =	rddreg [dreg:$0x3];
	[sflag:s3] =	ssyncset.done $0x0  }
0x19d: {  	s31 =	rddreg [dreg:$0x13]  }
.LBB2_5:
0x19e: {  	[sflag:s3] =	ssyncadd.s32 @p0 $0xFFFF8000  }
0x19f: {  	[tilespmem:s2], [sflag:$0x1] =	stream.linear.gather [hbm4b:s1+s2], $0x8000, $0x38;
	[tilespmem:$0x18000] =	vst v63  }
0x1a0: {  	s0 =	rddreg [dreg:$0x4]  }
0x1a1: {  	[tilespmem:s12], [sflag:$0x1] =	stream.linear.gather [hbm4b:s0+s2], $0x8000, $0x38;
	[tilespmem:$0x18000] =	vst v63  }
0x1a2: {  	s1 =	rddreg [dreg:$0x5]  }
0x1a3: {  	[tilespmem:s21], [sflag:$0x1] =	stream.linear.gather [hbm4b:s1+s2], $0x8000, $0x38;
	[tilespmem:$0x18000] =	vst v63  }
0x1a4: {  	_ =	swait.ge [sflag:s18], $0x8000  }
0x1a5: {  	[sflag:s18] =	ssyncset.done $0x0  }
0x1a6: {  	[sflag:s18] =	ssyncadd.s32 $0xFFFF8000  }
0x1a7: {  	[hbm4b:s31+s2] =	stream.linear.scatter [tilespmem:s2], [sflag:$0x2], $0x8000, $0x38;
	[tilespmem:$0x18000] =	vst v63  }
0x1a8: {  	s0 =	rddreg [dreg:$0x6]  }
0x1a9: {  	[hbm4b:s0+s2] =	stream.linear.scatter [tilespmem:s2], [sflag:$0x2], $0x8000, $0x38;
	[tilespmem:$0x18000] =	vst v63  }
0x1aa: {  	s1 =	rddreg [dreg:$0x7]  }
0x1ab: {  	[hbm4b:s1+s2] =	stream.linear.scatter [tilespmem:s2], [sflag:$0x2], $0x8000, $0x38;
	[tilespmem:$0x18000] =	vst v63  }
0x1ac: {  	s31 =	rddreg [dreg:$0x8]  }
0x1ad: {  	[hbm4b:s31+s2] =	stream.linear.scatter [tilespmem:s2], [sflag:$0x2], $0x8000, $0x38;
	[tilespmem:$0x18000] =	vst v63  }
0x1ae: {  	_ =	swait.ge [sflag:s3], $0x8000  }
0x1af: {  	[sflag:s3] =	ssyncset.done $0x0  }
0x1b0: {  	[sflag:s3] =	ssyncadd.s32 $0xFFFF8000  }
0x1b1: {  	_ =	swait.ge [sflag:s3], $0x8000  }
0x1b2: {  	[sflag:s3] =	ssyncset.done $0x0  }
0x1b3: {  	[sflag:s3] =	ssyncadd.s32 $0xFFFF8000  }
0x1b4: {  	_ =	swait.ge [sflag:s3], $0x8000  }
0x1b5: {  	[sflag:s3] =	ssyncset.done $0x0  }
0x1b6: {  	[sflag:s3] =	ssyncadd.s32 $0xFFFF8000  }
0x1b7: {  	_ =	swait.ge [sflag:s3], $0x8000  }
0x1b8: {  	[sflag:s3] =	ssyncset.done $0x0  }
0x1b9: {  	s31 =	rddreg [dreg:$0x9];
	[sflag:s3] =	ssyncadd.s32 $0xFFFF8000  }
0x1ba: {  	[tilespmem:s2], [sflag:$0x1] =	stream.linear.gather [hbm4b:s31+s2], $0x8000, $0x38;
	[tilespmem:$0x18000] =	vst v63  }
0x1bb: {  	_ =	swait.ge [sflag:s18], $0x8000  }
0x1bc: {  	[sflag:s18] =	ssyncset.done $0x0  }
0x1bd: {  	s1 =	rddreg [dreg:$0xa];
	[sflag:s18] =	ssyncadd.s32 $0xFFFF8000  }
0x1be: {  	[hbm4b:s1+s2] =	stream.linear.scatter [tilespmem:s12], [sflag:$0x2], $0x8000, $0x38;
	[tilespmem:$0x18000] =	vst v63  }
0x1bf: {  	s31 =	rddreg [dreg:$0xb]  }
0x1c0: {  	[hbm4b:s31+s2] =	stream.linear.scatter [tilespmem:s12], [sflag:$0x2], $0x8000, $0x38;
	[tilespmem:$0x18000] =	vst v63  }
0x1c1: {  	s0 =	rddreg [dreg:$0xc]  }
0x1c2: {  	[hbm4b:s0+s2] =	stream.linear.scatter [tilespmem:s12], [sflag:$0x2], $0x8000, $0x38;
	[tilespmem:$0x18000] =	vst v63  }
0x1c3: {  	s31 =	rddreg [dreg:$0xd]  }
0x1c4: {  	[hbm4b:s31+s2] =	stream.linear.scatter [tilespmem:s12], [sflag:$0x2], $0x8000, $0x38;
	[tilespmem:$0x18000] =	vst v63  }
0x1c5: {  	_ =	swait.ge [sflag:s3], $0x8000  }
0x1c6: {  	[sflag:s3] =	ssyncset.done $0x0  }
0x1c7: {  	[sflag:s3] =	ssyncadd.s32 $0xFFFF8000  }
0x1c8: {  	_ =	swait.ge [sflag:s3], $0x8000  }
0x1c9: {  	[sflag:s3] =	ssyncset.done $0x0  }
0x1ca: {  	[sflag:s3] =	ssyncadd.s32 $0xFFFF8000  }
0x1cb: {  	_ =	swait.ge [sflag:s3], $0x8000  }
0x1cc: {  	[sflag:s3] =	ssyncset.done $0x0  }
0x1cd: {  	[sflag:s3] =	ssyncadd.s32 $0xFFFF8000  }
0x1ce: {  	_ =	swait.ge [sflag:s3], $0x8000  }
0x1cf: {  	[sflag:s3] =	ssyncset.done $0x0  }
0x1d0: {  	s31 =	rddreg [dreg:$0xe];
	[sflag:s3] =	ssyncadd.s32 $0xFFFF8000  }
0x1d1: {  	[tilespmem:s12], [sflag:$0x1] =	stream.linear.gather [hbm4b:s31+s2], $0x8000, $0x38;
	[tilespmem:$0x18000] =	vst v63  }
0x1d2: {  	_ =	swait.ge [sflag:s18], $0x8000  }
0x1d3: {  	[sflag:s18] =	ssyncset.done $0x0  }
0x1d4: {  	s1 =	rddreg [dreg:$0xf];
	[sflag:s18] =	ssyncadd.s32 $0xFFFF8000  }
0x1d5: {  	[hbm4b:s1+s2] =	stream.linear.scatter [tilespmem:s21], [sflag:$0x2], $0x8000, $0x38;
	[tilespmem:$0x18000] =	vst v63  }
0x1d6: {  	s31 =	rddreg [dreg:$0x10]  }
0x1d7: {  	[hbm4b:s31+s2] =	stream.linear.scatter [tilespmem:s21], [sflag:$0x2], $0x8000, $0x38;
	[tilespmem:$0x18000] =	vst v63  }
0x1d8: {  	s0 =	rddreg [dreg:$0x11]  }
0x1d9: {  	[hbm4b:s0+s2] =	stream.linear.scatter [tilespmem:s21], [sflag:$0x2], $0x8000, $0x38;
	[tilespmem:$0x18000] =	vst v63  }
0x1da: {  	s31 =	rddreg [dreg:$0x12]  }
0x1db: {  	[hbm4b:s31+s2] =	stream.linear.scatter [tilespmem:s21], [sflag:$0x2], $0x8000, $0x38;
	[tilespmem:$0x18000] =	vst v63  }
0x1dc: {  	_ =	swait.ge [sflag:s3], $0x8000  }
0x1dd: {  	[sflag:s3] =	ssyncset.done $0x0  }
0x1de: {  	[sflag:s3] =	ssyncadd.s32 $0xFFFF8000  }
0x1df: {  	_ =	swait.ge [sflag:s3], $0x8000  }
0x1e0: {  	[sflag:s3] =	ssyncset.done $0x0  }
0x1e1: {  	[sflag:s3] =	ssyncadd.s32 $0xFFFF8000  }
0x1e2: {  	_ =	swait.ge [sflag:s3], $0x8000  }
0x1e3: {  	[sflag:s3] =	ssyncset.done $0x0  }
0x1e4: {  	[sflag:s3] =	ssyncadd.s32 $0xFFFF8000  }
0x1e5: {  	_ =	swait.ge [sflag:s3], $0x8000  }
0x1e6: {  	[sflag:s3] =	ssyncset.done $0x0  }
0x1e7: {  	[sflag:s3] =	ssyncadd.s32 $0xFFFF8000  }
0x1e8: {  	[tilespmem:s21], [sflag:$0x1] =	stream.linear.gather [hbm4b:s30+s2], $0x8000, $0x38;
	[tilespmem:$0x18000] =	vst v63  }
0x1e9: {  	_ =	swait.ge [sflag:s18], $0x8000  }
0x1ea: {  	[sflag:s18] =	ssyncset.done $0x0  }
0x1eb: {  	[sflag:s18] =	ssyncadd.s32 $0xFFFF8000  }
0x1ec: {  	[hbm4b:s25+s2] =	stream.linear.scatter [tilespmem:s2], [sflag:$0x2], $0x8000, $0x38;
	[tilespmem:$0x18000] =	vst v63  }
0x1ed: {  	_ = 	snop  }
0x1ee: {  	[hbm4b:s26+s2] =	stream.linear.scatter [tilespmem:s2], [sflag:$0x2], $0x8000, $0x38;
	[tilespmem:$0x18000] =	vst v63  }
0x1ef: {  	_ = 	snop  }
0x1f0: {  	[hbm4b:s28+s2] =	stream.linear.scatter [tilespmem:s2], [sflag:$0x2], $0x8000, $0x38;
	[tilespmem:$0x18000] =	vst v63  }
0x1f1: {  	_ = 	snop  }
0x1f2: {  	[hbm4b:s29+s2] =	stream.linear.scatter [tilespmem:s2], [sflag:$0x2], $0x8000, $0x38;
	[tilespmem:$0x18000] =	vst v63  }
0x1f3: {  	_ =	swait.ge [sflag:s3], $0x8000  }
0x1f4: {  	[sflag:s3] =	ssyncset.done $0x0  }
0x1f5: {  	[sflag:s3] =	ssyncadd.s32 $0xFFFF8000  }
0x1f6: {  	_ =	swait.ge [sflag:s3], $0x8000  }
0x1f7: {  	[sflag:s3] =	ssyncset.done $0x0  }
0x1f8: {  	[sflag:s3] =	ssyncadd.s32 $0xFFFF8000  }
0x1f9: {  	_ =	swait.ge [sflag:s3], $0x8000  }
0x1fa: {  	[sflag:s3] =	ssyncset.done $0x0  }
0x1fb: {  	[sflag:s3] =	ssyncadd.s32 $0xFFFF8000  }
0x1fc: {  	_ =	swait.ge [sflag:s3], $0x8000  }
0x1fd: {  	[sflag:s3] =	ssyncset.done $0x0  }
0x1fe: {  	[sflag:s3] =	ssyncadd.s32 $0xFFFF8000  }
0x1ff: {  	[tilespmem:s2], [sflag:$0x1] =	stream.linear.gather [hbm4b:s24+s2], $0x8000, $0x38;
	[tilespmem:$0x18000] =	vst v63  }
0x200: {  	_ =	swait.ge [sflag:s18], $0x8000  }
0x201: {  	[sflag:s18] =	ssyncset.done $0x0  }
0x202: {  	[sflag:s18] =	ssyncadd.s32 $0xFFFF8000  }
0x203: {  	[hbm4b:s19+s2] =	stream.linear.scatter [tilespmem:s12], [sflag:$0x2], $0x8000, $0x38;
	[tilespmem:$0x18000] =	vst v63  }
0x204: {  	_ = 	snop  }
0x205: {  	[hbm4b:s20+s2] =	stream.linear.scatter [tilespmem:s12], [sflag:$0x2], $0x8000, $0x38;
	[tilespmem:$0x18000] =	vst v63  }
0x206: {  	_ = 	snop  }
0x207: {  	[hbm4b:s22+s2] =	stream.linear.scatter [tilespmem:s12], [sflag:$0x2], $0x8000, $0x38;
	[tilespmem:$0x18000] =	vst v63  }
0x208: {  	_ = 	snop  }
0x209: {  	[hbm4b:s23+s2] =	stream.linear.scatter [tilespmem:s12], [sflag:$0x2], $0x8000, $0x38;
	[tilespmem:$0x18000] =	vst v63  }
0x20a: {  	_ =	swait.ge [sflag:s3], $0x8000  }
0x20b: {  	[sflag:s3] =	ssyncset.done $0x0  }
0x20c: {  	[sflag:s3] =	ssyncadd.s32 $0xFFFF8000  }
0x20d: {  	_ =	swait.ge [sflag:s3], $0x8000  }
0x20e: {  	[sflag:s3] =	ssyncset.done $0x0  }
0x20f: {  	[sflag:s3] =	ssyncadd.s32 $0xFFFF8000  }
0x210: {  	_ =	swait.ge [sflag:s3], $0x8000  }
0x211: {  	[sflag:s3] =	ssyncset.done $0x0  }
0x212: {  	[sflag:s3] =	ssyncadd.s32 $0xFFFF8000  }
0x213: {  	_ =	swait.ge [sflag:s3], $0x8000  }
0x214: {  	[sflag:s3] =	ssyncset.done $0x0  }
0x215: {  	[sflag:s3] =	ssyncadd.s32 $0xFFFF8000  }
0x216: {  	[tilespmem:s12], [sflag:$0x1] =	stream.linear.gather [hbm4b:s17+s2], $0x8000, $0x38;
	[tilespmem:$0x18000] =	vst v63  }
0x217: {  	_ =	swait.ge [sflag:s18], $0x8000  }
0x218: {  	[sflag:s18] =	ssyncset.done $0x0  }
0x219: {  	[sflag:s18] =	ssyncadd.s32 $0xFFFF8000  }
0x21a: {  	[hbm4b:s13+s2] =	stream.linear.scatter [tilespmem:s21], [sflag:$0x2], $0x8000, $0x38;
	[tilespmem:$0x18000] =	vst v63  }
0x21b: {  	_ = 	snop  }
0x21c: {  	[hbm4b:s14+s2] =	stream.linear.scatter [tilespmem:s21], [sflag:$0x2], $0x8000, $0x38;
	[tilespmem:$0x18000] =	vst v63  }
0x21d: {  	_ = 	snop  }
0x21e: {  	[hbm4b:s15+s2] =	stream.linear.scatter [tilespmem:s21], [sflag:$0x2], $0x8000, $0x38;
	[tilespmem:$0x18000] =	vst v63  }
0x21f: {  	_ = 	snop  }
0x220: {  	[hbm4b:s16+s2] =	stream.linear.scatter [tilespmem:s21], [sflag:$0x2], $0x8000, $0x38;
	[tilespmem:$0x18000] =	vst v63  }
0x221: {  	_ =	swait.ge [sflag:s18], $0x8000  }
0x222: {  	[sflag:s18] =	ssyncset.done $0x0  }
0x223: {  	[sflag:s18] =	ssyncadd.s32 $0xFFFF8000  }
0x224: {  	[hbm4b:s6+s2] =	stream.linear.scatter [tilespmem:s2], [sflag:$0x2], $0x8000, $0x38;
	[tilespmem:$0x18000] =	vst v63  }
0x225: {  	_ = 	snop  }
0x226: {  	[hbm4b:s7+s2] =	stream.linear.scatter [tilespmem:s2], [sflag:$0x2], $0x8000, $0x38;
	[tilespmem:$0x18000] =	vst v63  }
0x227: {  	_ = 	snop  }
0x228: {  	[hbm4b:s8+s2] =	stream.linear.scatter [tilespmem:s2], [sflag:$0x2], $0x8000, $0x38;
	[tilespmem:$0x18000] =	vst v63  }
0x229: {  	_ = 	snop  }
0x22a: {  	[hbm4b:s9+s2] =	stream.linear.scatter [tilespmem:s2], [sflag:$0x2], $0x8000, $0x38;
	[tilespmem:$0x18000] =	vst v63  }
0x22b: {  	_ =	swait.ge [sflag:s18], $0x8000  }
0x22c: {  	[sflag:s18] =	ssyncset.done $0x0  }
0x22d: {  	[sflag:s18] =	ssyncadd.s32 $0xFFFF8000  }
0x22e: {  	[hbm4b:s4+s2] =	stream.linear.scatter [tilespmem:s12], [sflag:$0x2], $0x8000, $0x38;
	[tilespmem:$0x18000] =	vst v63  }
0x22f: {  	_ = 	snop  }
0x230: {  	[hbm4b:s5+s2] =	stream.linear.scatter [tilespmem:s12], [sflag:$0x2], $0x8000, $0x38;
	[tilespmem:$0x18000] =	vst v63  }
0x231: {  	_ = 	snop  }
0x232: {  	[hbm4b:s10+s2] =	stream.linear.scatter [tilespmem:s12], [sflag:$0x2], $0x8000, $0x38;
	[tilespmem:$0x18000] =	vst v63  }
0x233: {  	_ = 	snop  }
0x234: {  	[hbm4b:s11+s2] =	stream.linear.scatter [tilespmem:s12], [sflag:$0x2], $0x8000, $0x38;
	[tilespmem:$0x18000] =	vst v63  }
0x235: {  	_ =	swait.ge [sflag:s3], $0x8000  }
0x236: {  	[sflag:s3] =	ssyncset.done $0x0  }
0x237: {  	[sflag:s3] =	ssyncadd.s32 $0xFFFF8000  }
0x238: {  	_ =	swait.ge [sflag:s3], $0x8000  }
0x239: {  	[sflag:s3] =	ssyncset.done $0x0  }
0x23a: {  	[sflag:s3] =	ssyncadd.s32 $0xFFFF8000  }
0x23b: {  	_ =	swait.ge [sflag:s3], $0x8000  }
0x23c: {  	[sflag:s3] =	ssyncset.done $0x0  }
0x23d: {  	[sflag:s3] =	ssyncadd.s32 $0xFFFF8000  }
0x23e: {  	_ =	swait.ge [sflag:s3], $0x8000  }
0x23f: {  	[sflag:s3] =	ssyncset.done $0x0  }
0x240: {  	[sflag:s3] =	ssyncadd.s32 $0xFFFF8000  }
0x241: {  	_ =	swait.ge [sflag:s3], $0x8000  }
0x242: {  	[sflag:s3] =	ssyncset.done $0x0  }
0x243: {  	[sflag:s3] =	ssyncadd.s32 $0xFFFF8000  }
0x244: {  	_ =	swait.ge [sflag:s3], $0x8000  }
0x245: {  	[sflag:s3] =	ssyncset.done $0x0  }
0x246: {  	[sflag:s3] =	ssyncadd.s32 $0xFFFF8000  }
0x247: {  	_ =	swait.ge [sflag:s3], $0x8000  }
0x248: {  	[sflag:s3] =	ssyncset.done $0x0  }
0x249: {  	[sflag:s3] =	ssyncadd.s32 $0xFFFF8000  }
0x24a: {  	_ =	swait.ge [sflag:s3], $0x8000  }
0x24b: {  	[sflag:s3] =	ssyncset.done $0x0  }
0x24c: {  	[sflag:s3] =	ssyncadd.s32 $0xFFFF8000  }
0x24d: {  	_ =	swait.ge [sflag:s3], $0x8000  }
0x24e: {  	[sflag:s3] =	ssyncset.done $0x0  }
0x24f: {  	[sflag:s3] =	ssyncadd.s32 $0xFFFF8000  }
0x250: {  	_ =	swait.ge [sflag:s3], $0x8000  }
0x251: {  	[sflag:s3] =	ssyncset.done $0x0  }
0x252: {  	[sflag:s3] =	ssyncadd.s32 $0xFFFF8000  }
0x253: {  	_ =	swait.ge [sflag:s3], $0x8000  }
0x254: {  	[sflag:s3] =	ssyncset.done $0x0  }
0x255: {  	[sflag:s3] =	ssyncadd.s32 $0xFFFF8000  }
0x256: {  	_ =	swait.ge [sflag:s3], $0x8000  }
0x257: {  	[sflag:s3] =	ssyncset.done $0x0  }
0x258: {  	[sflag:s3] =	ssyncadd.s32 $0xFFFF8000  }
0x259: {  	_ =	sfence.sel $0x180000  }
0x25a: {  	[bflag:$0x0] =	sbarrier.arrive $0xFFFF  }
0x25b: {  	_ =	strace $0x90000047  }
0x25c: {  	s31 =	stileid.u32;
	[bflag:$0x2] =	sbarrier.arrive $0xFFFF  }
0x25d: {  	p0 =	sne.s32 s31, $0x0;
	s0 =	rddreg [dreg:$0x2]  }
0x25e: {  	s0 =	sadd.s32 @!p0 $0x100000, s0  }
0x25f: {  	[sflag:s0] =	ssyncadd.tile.s32 @!p0 $0x1;
	_ =	shalt  }
.LBB2_2:
.Ltmp3:
0x260: {  	(pc) =	sbr.rel .LBB2_5-.Ltmp3, $2  }
0x261: {  	_ =	sdelay $0x2  }
0x262: {  	s31 =	rddreg [dreg:$0x13]  }
.Lfunc_end2:
_tile_overlayer_lowered:
.L_overlay_start_2:
0x263: {  	(tag) =	ssettag $0x2  }
0x264: {  	s0 =	rddreg [dreg:$0x0];
	s2 =	stileid.u32  }
0x265: {  	s1 =	rddreg [dreg:$0x1];
	p0 =	sne.s32 s2, $0x0  }
0x266: {  	s3 =	rddreg [dreg:$0x2];
	[bflag:$0x3] =	sbarrier.arrive $0xFFFF;
	s2 =	simm.s32 @!p0 $0x1C03  }
0x267: {  	[timem:s3], [sflag:s2] =	dma.local @!p0 [hbm:s0], s1  }
0x268: {  	s0 =	simm.s32 @!p0 $0x3  }
0x269: {  	_ =	swait.ge @!p0 [sflag:s0], s1  }
0x26a: {  	s1 =	ssub.s32 @!p0 $0x0, s1;
	[sflag:s0] =	ssyncset.done @!p0 $0x0  }
0x26b: {  	[sflag:s0] =	ssyncadd.s32 @!p0 s1  }
0x26c: {  	[bflag:$0x3] =	sbarrier.arrive $0xFFFF  }
0x26d: {  	_ =	shalt  }

</sc_bundles>
